<compile_context>
chip_gen: v7x
topology: tpu7x:2x2x1
jax: 0.10.2.dev20260603
libtpu: 0.0.44.dev20260713+nightly
codegen_flags: <defaults>
</compile_context>

<pallas_src>
import math

import jax
import jax.numpy as jnp
from jax import lax
from jax.experimental import pallas as pl
from jax.experimental.pallas import tpu as pltpu
from jax.experimental.pallas import tpu_sc as plsc

N2 = 10240
HCHUNK = 128
CHUNK = 64
NSLOT = 5
AHEAD = NSLOT - 1
NC, NS = 2, 16
NW = NC * NS
ROWS = N2 // NS
IB = 16

_MESH = plsc.VectorSubcoreMesh(core_axis_name="c", subcore_axis_name="s")


def _hist_body(col_hbm, zrows_hbm, ones_hbm, out_hbm, colv, onesv, acc, sem):
    c = lax.axis_index("c")
    s = lax.axis_index("s")
    wid = c * NS + s
    nch = col_hbm.shape[1]
    pltpu.sync_copy(zrows_hbm, acc.at[pl.ds(s * ROWS, ROWS)])
    pltpu.sync_copy(ones_hbm, onesv)
    pltpu.sync_copy(col_hbm.at[wid], colv)
    plsc.subcore_barrier()

    def fire(j, carry):
        pltpu.async_copy(onesv, acc.at[colv.at[j]], sem, add=True)
        return carry

    lax.fori_loop(0, nch, fire, 0)

    pltpu.make_async_copy(col_hbm.at[wid], colv, sem).wait()
    plsc.subcore_barrier()
    pltpu.sync_copy(acc.at[pl.ds(s * ROWS, ROWS)],
                    out_hbm.at[c, pl.ds(s * ROWS, ROWS)])


def _scatter_body(row_hbm, col_hbm, y_hbm, ztile_hbm, out_hbm,
                  rowv, colv, bufs, acc, gs0, gs1, gs2, gs3, gs4,
                  ss0, ss1, ss2, ss3, ss4, isem):
    gsems = (gs0, gs1, gs2, gs3, gs4)
    ssems = (ss0, ss1, ss2, ss3, ss4)
    c = lax.axis_index("c")
    s = lax.axis_index("s")
    wid = c * NS + s
    nch = row_hbm.shape[1]
    nblk = nch // IB
    pltpu.sync_copy(ztile_hbm, acc.at[pl.ds(s * ROWS, ROWS)])
    row_w = row_hbm.at[wid]
    col_w = col_hbm.at[wid]
    pltpu.sync_copy(row_w.at[pl.ds(0, IB)], rowv.at[0])
    pltpu.sync_copy(col_w.at[pl.ds(0, IB)], colv.at[0])
    pltpu.async_copy(row_w.at[pl.ds(IB, IB)], rowv.at[1], isem)
    pltpu.async_copy(col_w.at[pl.ds(IB, IB)], colv.at[1], isem)
    plsc.subcore_barrier()

    for k in range(AHEAD):
        pltpu.async_copy(y_hbm.at[rowv.at[0, k]], bufs.at[k], gsems[k])

    def step(j, carry):
        bi = j // IB
        jj = j % IB
        slot = bi % 2

        @pl.when((jj == 1) & (bi >= 1) & (bi + 1 < nblk))
        def _():
            nslot = (bi + 1) % 2
            pltpu.async_copy(row_w.at[pl.ds((bi + 1) * IB, IB)],
                             rowv.at[nslot], isem)
            pltpu.async_copy(col_w.at[pl.ds((bi + 1) * IB, IB)],
                             colv.at[nslot], isem)

        @pl.when((jj == IB - AHEAD) & (bi + 1 < nblk))
        def _():
            nslot = (bi + 1) % 2
            pltpu.make_async_copy(row_w.at[pl.ds((bi + 1) * IB, IB)],
                                  rowv.at[nslot], isem).wait()
            pltpu.make_async_copy(col_w.at[pl.ds((bi + 1) * IB, IB)],
                                  colv.at[nslot], isem).wait()

        def path(p):
            q = (p + AHEAD) % NSLOT

            @pl.when(j + AHEAD < nch)
            def _():
                @pl.when(j >= 1)
                def _():
                    jm = j - 1
                    pltpu.make_async_copy(
                        bufs.at[q],
                        acc.at[colv.at[(jm // IB) % 2, jm % IB]],
                        ssems[q]).wait()
                j3 = j + AHEAD
                pltpu.async_copy(
                    y_hbm.at[rowv.at[(j3 // IB) % 2, j3 % IB]],
                    bufs.at[q], gsems[q])

            pltpu.make_async_copy(y_hbm.at[rowv.at[slot, jj]],
                                  bufs.at[p], gsems[p]).wait()
            pltpu.async_copy(bufs.at[p], acc.at[colv.at[slot, jj]],
                             ssems[p], add=True)

        for p in range(NSLOT):
            @pl.when(j % NSLOT == p)
            def _(p=p):
                path(p)

        return carry

    lax.fori_loop(0, nch, step, 0)
    for k in range(-(AHEAD + 1), 0):
        kk = k
        pltpu.make_async_copy(bufs.at[(nch + kk) % NSLOT],
                              acc.at[colv.at[((nch + kk) // IB) % 2,
                                             (nch + kk) % IB]],
                              ssems[(nch + kk) % NSLOT]).wait()
    plsc.subcore_barrier()
    pltpu.sync_copy(acc.at[pl.ds(s * ROWS, ROWS)],
                    out_hbm.at[c, pl.ds(s * ROWS, ROWS)])


def _matmul_body(x_ref, w_ref, xw_ref):
    xw_ref[...] = jnp.dot(x_ref[...], w_ref[...],
                          preferred_element_type=jnp.float32)


def _scale_body(xw_ref, h0_ref, h1_ref, y_ref):
    deg = h0_ref[...] + h1_ref[...] + 1.0
    y_ref[...] = xw_ref[...] * lax.rsqrt(deg)


def _final_body(p0_ref, p1_ref, y_ref, h0_ref, h1_ref, b_ref, o_ref):
    deg = h0_ref[...] + h1_ref[...] + 1.0
    t = ((p0_ref[0] + p1_ref[0] + y_ref[...]) * lax.rsqrt(deg)
         + b_ref[...])
    o_ref[...] = t * 0.5 * (1.0 + lax.erf(t * (1.0 / math.sqrt(2.0))))


def kernel(x, edge_index, W, b):
    n, d = x.shape
    e = edge_index.shape[1]
    row = edge_index[0].astype(jnp.int32)
    col = edge_index[1].astype(jnp.int32)

    step = NW * CHUNK * IB
    e_pad = ((e + step - 1) // step) * step
    nch = e_pad // (NW * CHUNK)
    nch_h = e_pad // (NW * HCHUNK)
    npad = e_pad - e
    pad_iota = jnp.arange(npad, dtype=jnp.int32)
    row_p = jnp.concatenate([row, pad_iota % n])
    col_p = jnp.concatenate([col, n + pad_iota % (N2 - n)])
    row3 = row_p.reshape(NW, nch, CHUNK)
    col3 = col_p.reshape(NW, nch, CHUNK)
    col3h = col_p.reshape(NW, nch_h, HCHUNK)
    xpad = jnp.zeros((N2, d), jnp.float32).at[:n, :].set(x.astype(jnp.float32))

    zrows = jnp.zeros((ROWS,), jnp.float32)
    ones = jnp.ones((HCHUNK,), jnp.float32)
    ztile = jnp.zeros((ROWS, d), jnp.float32)

    blk = 1024
    xw = pl.pallas_call(
        _matmul_body,
        grid=(N2 // blk,),
        in_specs=[
            pl.BlockSpec((blk, d), lambda i: (i, 0)),
            pl.BlockSpec((d, d), lambda i: (0, 0)),
        ],
        out_specs=pl.BlockSpec((blk, d), lambda i: (i, 0)),
        out_shape=jax.ShapeDtypeStruct((N2, d), jnp.float32),
    )(xpad, W.astype(jnp.float32))

    hist = pl.kernel(
        _hist_body,
        out_type=jax.ShapeDtypeStruct((NC, N2), jnp.float32),
        mesh=_MESH,
        scratch_types=[
            pltpu.VMEM((nch_h, HCHUNK), jnp.int32),
            pltpu.VMEM((HCHUNK,), jnp.float32),
            pltpu.VMEM_SHARED((N2,), jnp.float32),
            pltpu.SemaphoreType.DMA,
        ],
    )(col3h, zrows, ones)

    h0 = hist[0].reshape(N2, 1)
    h1 = hist[1].reshape(N2, 1)

    y = pl.pallas_call(
        _scale_body,
        grid=(N2 // blk,),
        in_specs=[
            pl.BlockSpec((blk, d), lambda i: (i, 0)),
            pl.BlockSpec((blk, 1), lambda i: (i, 0)),
            pl.BlockSpec((blk, 1), lambda i: (i, 0)),
        ],
        out_specs=pl.BlockSpec((blk, d), lambda i: (i, 0)),
        out_shape=jax.ShapeDtypeStruct((N2, d), jnp.float32),
    )(xw, h0, h1)

    parts = pl.kernel(
        _scatter_body,
        out_type=jax.ShapeDtypeStruct((NC, N2, d), jnp.float32),
        mesh=_MESH,
        scratch_types=[
            pltpu.VMEM((2, IB, CHUNK), jnp.int32),
            pltpu.VMEM((2, IB, CHUNK), jnp.int32),
            pltpu.VMEM((NSLOT, CHUNK, d), jnp.float32),
            pltpu.VMEM_SHARED((N2, d), jnp.float32),
        ] + [pltpu.SemaphoreType.DMA] * (2 * NSLOT + 1),
    )(row3, col3, y, ztile)

    blkf = 1000
    out = pl.pallas_call(
        _final_body,
        grid=(n // blkf,),
        in_specs=[
            pl.BlockSpec((1, blkf, d), lambda i: (0, i, 0)),
            pl.BlockSpec((1, blkf, d), lambda i: (1, i, 0)),
            pl.BlockSpec((blkf, d), lambda i: (i, 0)),
            pl.BlockSpec((blkf, 1), lambda i: (i, 0)),
            pl.BlockSpec((blkf, 1), lambda i: (i, 0)),
            pl.BlockSpec((1, d), lambda i: (0, 0)),
        ],
        out_specs=pl.BlockSpec((blkf, d), lambda i: (i, 0)),
        out_shape=jax.ShapeDtypeStruct((n, d), jnp.float32),
    )(parts, parts, y, h0, h1, b.reshape(1, d).astype(jnp.float32))

    return out

# --- scband reference (transcript-rebuilt; emitter-appended) ---
"""Pipeline reference for scband-gcnmodule-46024869544086 (READ-ONLY COPY).

The authoritative reference and input builder live on the scoring server;
editing this copy changes nothing except your own understanding.
"""

import jax, jax.numpy as jnp
import numpy as np

N_NODES = 10000
N_EDGES = 320000
DIM = 128

def setup_inputs(seed: int = 0) -> dict:
    key = jax.random.key(seed)
    k1, k2, k3, k4 = jax.random.split(key, 4)
    x = jax.random.normal(k1, (N_NODES, DIM), dtype=jnp.float32)
    edge_index = jax.random.randint(k2, (2, N_EDGES), 0, N_NODES, dtype=jnp.int64)
    # GCNConv learned parameters: linear weight [in, out] and bias [out]
    W = jax.random.normal(k3, (DIM, DIM), dtype=jnp.float32) * (1.0 / np.sqrt(DIM))
    b = jax.random.normal(k4, (DIM,), dtype=jnp.float32) * 0.01
    return {"x": x, "edge_index": edge_index, "W": W, "b": b}

def reference(x, edge_index, W, b):
    N = x.shape[0]
    # Add self-loops (PyG GCNConv default add_self_loops=True)
    loop = jnp.arange(N, dtype=edge_index.dtype)
    ei = jnp.concatenate([edge_index, jnp.stack([loop, loop], axis=0)], axis=1)
    row, col = ei[0], ei[1]
    # Symmetric normalization: deg computed on target (col) index
    ones = jnp.ones(ei.shape[1], dtype=x.dtype)
    deg = jax.ops.segment_sum(ones, col, num_segments=N)
    deg_inv_sqrt = jnp.where(deg > 0, 1.0 / jnp.sqrt(deg), 0.0)
    norm = deg_inv_sqrt[row] * deg_inv_sqrt[col]
    # Linear transform first, then propagate (PyG GCNConv order)
    xw = x @ W
    msg = xw[row] * norm[:, None]
    out = jax.ops.segment_sum(msg, col, num_segments=N)
    out = out + b
    # Dropout is identity in eval mode
    # nn.GELU default is exact (erf) variant
    out = jax.nn.gelu(out, approximate=False)
    return out

if __name__ == "__main__":
    import jax
    _d = setup_inputs()
    print(jax.jit(kernel)(*tuple(_d.values())))

</pallas_src>

<mosaic_0001>
#map = affine_map<(d0, d1) -> (0, 0, 0)>
#map1 = affine_map<(d0, d1) -> (0)>
#map2 = affine_map<(d0, d1) -> (0, 0)>
module attributes {stable_mosaic.version = 14 : i64} {
  func.func @_hist_body(%arg0: i32, %arg1: i32, %arg2: memref<32x80x128xi32, #tpu.memory_space<hbm>>, %arg3: memref<640xf32, #tpu.memory_space<hbm>>, %arg4: memref<128xf32, #tpu.memory_space<hbm>>, %arg5: memref<2x10240xf32, #tpu.memory_space<hbm>>, %arg6: memref<80x128xi32, #tpu.memory_space<vmem>>, %arg7: memref<128xf32, #tpu.memory_space<vmem>>, %arg8: memref<10240xf32, #tpu.memory_space<vmem_shared>>, %arg9: memref<!tpu.dma_semaphore, #tpu.memory_space<semaphore_mem>>) attributes {dimension_semantics = [#tpu.dimension_semantics<core_parallel>, #tpu.dimension_semantics<subcore_parallel>], iteration_bounds = array<i64: 2, 16>, scalar_prefetch = 0 : i64, scratch_operands = 4 : i64, tpu.core_type = #tpu.core_type<sc_vector_subcore>, window_params = [{transform_indices = #map}, {transform_indices = #map1}, {transform_indices = #map1}, {transform_indices = #map2}]} {
    %mul3A = arith.constant 16 : i32
    %mul3A_0 = arith.muli %arg0, %mul3A : i32
    %add3A = arith.addi %mul3A_0, %arg1 : i32
    %mul3A_1 = arith.constant 640 : i32
    %mul3A_2 = arith.muli %arg1, %mul3A_1 : i32
    "tpu.region"() ({
      %run_scoped3A = tpu.sem_alloc : memref<!tpu.dma_semaphore, #tpu.memory_space<semaphore_mem>>
      %dma_start3A = tpu.memref_slice %arg8[%mul3A_2] : memref<10240xf32, #tpu.memory_space<vmem_shared>> -> memref<640xf32, #tpu.memory_space<vmem_shared>>
      tpu.enqueue_dma source(%arg3 : memref<640xf32, #tpu.memory_space<hbm>>) target(%dma_start3A : memref<640xf32, #tpu.memory_space<vmem_shared>>) target_semaphore(%run_scoped3A : memref<!tpu.dma_semaphore, #tpu.memory_space<semaphore_mem>>)
      %dma_wait3A_20 = tpu.memref_slice %arg8[%mul3A_2] : memref<10240xf32, #tpu.memory_space<vmem_shared>> -> memref<640xf32, #tpu.memory_space<vmem_shared>>
      tpu.wait_dma2 semaphore(%run_scoped3A : memref<!tpu.dma_semaphore, #tpu.memory_space<semaphore_mem>>) src(%arg3 : memref<640xf32, #tpu.memory_space<hbm>>) dst(%dma_wait3A_20 : memref<640xf32, #tpu.memory_space<vmem_shared>>)
      tpu.yield
    }) : () -> ()
    "tpu.region"() ({
      %run_scoped3A = tpu.sem_alloc : memref<!tpu.dma_semaphore, #tpu.memory_space<semaphore_mem>>
      tpu.enqueue_dma source(%arg4 : memref<128xf32, #tpu.memory_space<hbm>>) target(%arg7 : memref<128xf32, #tpu.memory_space<vmem>>) target_semaphore(%run_scoped3A : memref<!tpu.dma_semaphore, #tpu.memory_space<semaphore_mem>>)
      tpu.wait_dma2 semaphore(%run_scoped3A : memref<!tpu.dma_semaphore, #tpu.memory_space<semaphore_mem>>) src(%arg4 : memref<128xf32, #tpu.memory_space<hbm>>) dst(%arg7 : memref<128xf32, #tpu.memory_space<vmem>>)
      tpu.yield
    }) : () -> ()
    "tpu.region"() ({
      %run_scoped3A = tpu.sem_alloc : memref<!tpu.dma_semaphore, #tpu.memory_space<semaphore_mem>>
      %dma_start3A = arith.constant 0 : i32
      %dma_start3A_20 = arith.constant 0 : i32
      %dma_start3A_21 = tpu.memref_slice %arg2[%add3A, %dma_start3A, %dma_start3A_20] : memref<32x80x128xi32, #tpu.memory_space<hbm>> -> memref<1x80x128xi32, #tpu.memory_space<hbm>>
      %dma_start3A_22 = tpu.memref_squeeze %dma_start3A_21 : memref<1x80x128xi32, #tpu.memory_space<hbm>> -> memref<80x128xi32, #tpu.memory_space<hbm>>
      %dma_start3A_23 = arith.constant 0 : i32
      %dma_start3A_24 = arith.constant 0 : i32
      %dma_start3A_25 = tpu.memref_slice %arg2[%add3A, %dma_start3A_23, %dma_start3A_24] : memref<32x80x128xi32, #tpu.memory_space<hbm>> -> memref<1x80x128xi32, #tpu.memory_space<hbm>>
      %dma_start3A_26 = tpu.memref_squeeze %dma_start3A_25 : memref<1x80x128xi32, #tpu.memory_space<hbm>> -> memref<80x128xi32, #tpu.memory_space<hbm>>
      tpu.enqueue_dma source(%dma_start3A_26 : memref<80x128xi32, #tpu.memory_space<hbm>>) target(%arg6 : memref<80x128xi32, #tpu.memory_space<vmem>>) target_semaphore(%run_scoped3A : memref<!tpu.dma_semaphore, #tpu.memory_space<semaphore_mem>>)
      %dma_wait3A_27 = arith.constant 0 : i32
      %dma_wait3A_28 = arith.constant 0 : i32
      %dma_wait3A_29 = tpu.memref_slice %arg2[%add3A, %dma_wait3A_27, %dma_wait3A_28] : memref<32x80x128xi32, #tpu.memory_space<hbm>> -> memref<1x80x128xi32, #tpu.memory_space<hbm>>
      %dma_wait3A_30 = tpu.memref_squeeze %dma_wait3A_29 : memref<1x80x128xi32, #tpu.memory_space<hbm>> -> memref<80x128xi32, #tpu.memory_space<hbm>>
      %dma_wait3A_31 = arith.constant 0 : i32
      %dma_wait3A_32 = arith.constant 0 : i32
      %dma_wait3A_33 = tpu.memref_slice %arg2[%add3A, %dma_wait3A_31, %dma_wait3A_32] : memref<32x80x128xi32, #tpu.memory_space<hbm>> -> memref<1x80x128xi32, #tpu.memory_space<hbm>>
      %dma_wait3A_34 = tpu.memref_squeeze %dma_wait3A_33 : memref<1x80x128xi32, #tpu.memory_space<hbm>> -> memref<80x128xi32, #tpu.memory_space<hbm>>
      tpu.wait_dma2 semaphore(%run_scoped3A : memref<!tpu.dma_semaphore, #tpu.memory_space<semaphore_mem>>) src(%dma_wait3A_34 : memref<80x128xi32, #tpu.memory_space<hbm>>) dst(%arg6 : memref<80x128xi32, #tpu.memory_space<vmem>>)
      tpu.yield
    }) : () -> ()
    %barrier3A = arith.constant 0 : index
    tpu.barrier barrier_id(%barrier3A)
    %scan3A = arith.constant 0 : i32
    %scan3A_3 = arith.constant 0 : i32
    %scan3A_4 = arith.constant 80 : i32
    %scan3A_5 = arith.addi %scan3A_3, %scan3A_4 : i32
    %scan3A_6 = arith.constant 1 : i32
    scf.for %scan3A_20 = %scan3A_3 to %scan3A_5 step %scan3A_6  : i32 {
      %dma_start3A = arith.constant 0 : i32
      %dma_start3A_21 = tpu.memref_slice %arg6[%scan3A_20, %dma_start3A] : memref<80x128xi32, #tpu.memory_space<vmem>> -> memref<1x128xi32, #tpu.memory_space<vmem>>
      %dma_start3A_22 = tpu.memref_squeeze %dma_start3A_21 : memref<1x128xi32, #tpu.memory_space<vmem>> -> memref<128xi32, #tpu.memory_space<vmem>>
      %dma_start3A_23 = arith.constant 0 : i32
      %dma_start3A_24 = tpu.memref_slice %arg8[%dma_start3A_23] : memref<10240xf32, #tpu.memory_space<vmem_shared>> -> memref<10240xf32, #tpu.memory_space<vmem_shared>>
      tpu.enqueue_indirect_dma source(%arg7 : memref<128xf32, #tpu.memory_space<vmem>>) target(%dma_start3A_24 : memref<10240xf32, #tpu.memory_space<vmem_shared>>) offsets(%dma_start3A_22 : memref<128xi32, #tpu.memory_space<vmem>>) semaphore(%arg9 : memref<!tpu.dma_semaphore, #tpu.memory_space<semaphore_mem>>) {add = true}
    }
    %scan3A_7 = arith.constant 80 : i32
    %dma_wait3A = arith.constant 0 : i32
    %dma_wait3A_8 = arith.constant 0 : i32
    %dma_wait3A_9 = tpu.memref_slice %arg2[%add3A, %dma_wait3A, %dma_wait3A_8] : memref<32x80x128xi32, #tpu.memory_space<hbm>> -> memref<1x80x128xi32, #tpu.memory_space<hbm>>
    %dma_wait3A_10 = tpu.memref_squeeze %dma_wait3A_9 : memref<1x80x128xi32, #tpu.memory_space<hbm>> -> memref<80x128xi32, #tpu.memory_space<hbm>>
    %dma_wait3A_11 = arith.constant 0 : i32
    %dma_wait3A_12 = arith.constant 0 : i32
    %dma_wait3A_13 = tpu.memref_slice %arg2[%add3A, %dma_wait3A_11, %dma_wait3A_12] : memref<32x80x128xi32, #tpu.memory_space<hbm>> -> memref<1x80x128xi32, #tpu.memory_space<hbm>>
    %dma_wait3A_14 = tpu.memref_squeeze %dma_wait3A_13 : memref<1x80x128xi32, #tpu.memory_space<hbm>> -> memref<80x128xi32, #tpu.memory_space<hbm>>
    tpu.wait_dma2 semaphore(%arg9 : memref<!tpu.dma_semaphore, #tpu.memory_space<semaphore_mem>>) src(%dma_wait3A_14 : memref<80x128xi32, #tpu.memory_space<hbm>>) dst(%arg6 : memref<80x128xi32, #tpu.memory_space<vmem>>)
    %barrier3A_15 = arith.constant 0 : index
    tpu.barrier barrier_id(%barrier3A_15)
    %mul3A_16 = arith.constant 640 : i32
    %mul3A_17 = arith.muli %arg1, %mul3A_16 : i32
    %mul3A_18 = arith.constant 640 : i32
    %mul3A_19 = arith.muli %arg1, %mul3A_18 : i32
    "tpu.region"() ({
      %run_scoped3A = tpu.sem_alloc : memref<!tpu.dma_semaphore, #tpu.memory_space<semaphore_mem>>
      %dma_start3A = tpu.memref_slice %arg5[%arg0, %mul3A_19] : memref<2x10240xf32, #tpu.memory_space<hbm>> -> memref<1x640xf32, #tpu.memory_space<hbm>>
      %dma_start3A_20 = tpu.memref_squeeze %dma_start3A : memref<1x640xf32, #tpu.memory_space<hbm>> -> memref<640xf32, #tpu.memory_space<hbm>>
      %dma_start3A_21 = tpu.memref_slice %arg8[%mul3A_17] : memref<10240xf32, #tpu.memory_space<vmem_shared>> -> memref<640xf32, #tpu.memory_space<vmem_shared>>
      tpu.enqueue_dma source(%dma_start3A_21 : memref<640xf32, #tpu.memory_space<vmem_shared>>) target(%dma_start3A_20 : memref<640xf32, #tpu.memory_space<hbm>>) target_semaphore(%run_scoped3A : memref<!tpu.dma_semaphore, #tpu.memory_space<semaphore_mem>>)
      %dma_wait3A_22 = tpu.memref_slice %arg5[%arg0, %mul3A_19] : memref<2x10240xf32, #tpu.memory_space<hbm>> -> memref<1x640xf32, #tpu.memory_space<hbm>>
      %dma_wait3A_23 = tpu.memref_squeeze %dma_wait3A_22 : memref<1x640xf32, #tpu.memory_space<hbm>> -> memref<640xf32, #tpu.memory_space<hbm>>
      %dma_wait3A_24 = tpu.memref_slice %arg8[%mul3A_17] : memref<10240xf32, #tpu.memory_space<vmem_shared>> -> memref<640xf32, #tpu.memory_space<vmem_shared>>
      tpu.wait_dma2 semaphore(%run_scoped3A : memref<!tpu.dma_semaphore, #tpu.memory_space<semaphore_mem>>) src(%dma_wait3A_24 : memref<640xf32, #tpu.memory_space<vmem_shared>>) dst(%dma_wait3A_23 : memref<640xf32, #tpu.memory_space<hbm>>)
      tpu.yield
    }) : () -> ()
    return
  }
}

#map = affine_map<(d0, d1) -> (0, 0, 0)>
#map1 = affine_map<(d0, d1) -> (0, 0)>
module attributes {stable_mosaic.version = 14 : i64} {
  func.func @_scatter_body(%arg0: i32, %arg1: i32, %arg2: memref<32x160x64xi32, #tpu.memory_space<hbm>>, %arg3: memref<32x160x64xi32, #tpu.memory_space<hbm>>, %arg4: memref<10240x128xf32, #tpu.memory_space<hbm>>, %arg5: memref<640x128xf32, #tpu.memory_space<hbm>>, %arg6: memref<2x10240x128xf32, #tpu.memory_space<hbm>>, %arg7: memref<2x16x64xi32, #tpu.memory_space<vmem>>, %arg8: memref<2x16x64xi32, #tpu.memory_space<vmem>>, %arg9: memref<5x64x128xf32, #tpu.memory_space<vmem>>, %arg10: memref<10240x128xf32, #tpu.memory_space<vmem_shared>>, %arg11: memref<!tpu.dma_semaphore, #tpu.memory_space<semaphore_mem>>, %arg12: memref<!tpu.dma_semaphore, #tpu.memory_space<semaphore_mem>>, %arg13: memref<!tpu.dma_semaphore, #tpu.memory_space<semaphore_mem>>, %arg14: memref<!tpu.dma_semaphore, #tpu.memory_space<semaphore_mem>>, %arg15: memref<!tpu.dma_semaphore, #tpu.memory_space<semaphore_mem>>, %arg16: memref<!tpu.dma_semaphore, #tpu.memory_space<semaphore_mem>>, %arg17: memref<!tpu.dma_semaphore, #tpu.memory_space<semaphore_mem>>, %arg18: memref<!tpu.dma_semaphore, #tpu.memory_space<semaphore_mem>>, %arg19: memref<!tpu.dma_semaphore, #tpu.memory_space<semaphore_mem>>, %arg20: memref<!tpu.dma_semaphore, #tpu.memory_space<semaphore_mem>>, %arg21: memref<!tpu.dma_semaphore, #tpu.memory_space<semaphore_mem>>) attributes {dimension_semantics = [#tpu.dimension_semantics<core_parallel>, #tpu.dimension_semantics<subcore_parallel>], iteration_bounds = array<i64: 2, 16>, scalar_prefetch = 0 : i64, scratch_operands = 15 : i64, tpu.core_type = #tpu.core_type<sc_vector_subcore>, window_params = [{transform_indices = #map}, {transform_indices = #map}, {transform_indices = #map1}, {transform_indices = #map1}, {transform_indices = #map}]} {
    %mul3A = arith.constant 16 : i32
    %mul3A_0 = arith.muli %arg0, %mul3A : i32
    %add3A = arith.addi %mul3A_0, %arg1 : i32
    %mul3A_1 = arith.constant 640 : i32
    %mul3A_2 = arith.muli %arg1, %mul3A_1 : i32
    "tpu.region"() ({
      %run_scoped3A_175 = tpu.sem_alloc : memref<!tpu.dma_semaphore, #tpu.memory_space<semaphore_mem>>
      %dma_start3A_176 = arith.constant 0 : i32
      %dma_start3A_177 = tpu.memref_slice %arg10[%mul3A_2, %dma_start3A_176] : memref<10240x128xf32, #tpu.memory_space<vmem_shared>> -> memref<640x128xf32, #tpu.memory_space<vmem_shared>>
      tpu.enqueue_dma source(%arg5 : memref<640x128xf32, #tpu.memory_space<hbm>>) target(%dma_start3A_177 : memref<640x128xf32, #tpu.memory_space<vmem_shared>>) target_semaphore(%run_scoped3A_175 : memref<!tpu.dma_semaphore, #tpu.memory_space<semaphore_mem>>)
      %dma_wait3A_178 = arith.constant 0 : i32
      %dma_wait3A_179 = tpu.memref_slice %arg10[%mul3A_2, %dma_wait3A_178] : memref<10240x128xf32, #tpu.memory_space<vmem_shared>> -> memref<640x128xf32, #tpu.memory_space<vmem_shared>>
      tpu.wait_dma2 semaphore(%run_scoped3A_175 : memref<!tpu.dma_semaphore, #tpu.memory_space<semaphore_mem>>) src(%arg5 : memref<640x128xf32, #tpu.memory_space<hbm>>) dst(%dma_wait3A_179 : memref<640x128xf32, #tpu.memory_space<vmem_shared>>)
      tpu.yield
    }) : () -> ()
    %run_scoped3A = arith.constant 0 : i32
    "tpu.region"() ({
      %run_scoped3A_175 = tpu.sem_alloc : memref<!tpu.dma_semaphore, #tpu.memory_space<semaphore_mem>>
      %dma_start3A_176 = arith.constant 0 : i32
      %dma_start3A_177 = arith.constant 0 : i32
      %dma_start3A_178 = tpu.memref_slice %arg7[%run_scoped3A, %dma_start3A_176, %dma_start3A_177] : memref<2x16x64xi32, #tpu.memory_space<vmem>> -> memref<1x16x64xi32, #tpu.memory_space<vmem>>
      %dma_start3A_179 = tpu.memref_squeeze %dma_start3A_178 : memref<1x16x64xi32, #tpu.memory_space<vmem>> -> memref<16x64xi32, #tpu.memory_space<vmem>>
      %dma_start3A_180 = arith.constant 0 : i32
      %dma_start3A_181 = arith.constant 0 : i32
      %dma_start3A_182 = tpu.memref_slice %arg2[%add3A, %dma_start3A_180, %dma_start3A_181] : memref<32x160x64xi32, #tpu.memory_space<hbm>> -> memref<1x160x64xi32, #tpu.memory_space<hbm>>
      %dma_start3A_183 = tpu.memref_squeeze %dma_start3A_182 : memref<1x160x64xi32, #tpu.memory_space<hbm>> -> memref<160x64xi32, #tpu.memory_space<hbm>>
      %dma_start3A_184 = arith.constant 0 : i32
      %dma_start3A_185 = arith.constant 0 : i32
      %dma_start3A_186 = tpu.memref_slice %dma_start3A_183[%dma_start3A_184, %dma_start3A_185] : memref<160x64xi32, #tpu.memory_space<hbm>> -> memref<16x64xi32, #tpu.memory_space<hbm>>
      %dma_start3A_187 = arith.constant 0 : i32
      %dma_start3A_188 = arith.constant 0 : i32
      %dma_start3A_189 = tpu.memref_slice %arg7[%run_scoped3A, %dma_start3A_187, %dma_start3A_188] : memref<2x16x64xi32, #tpu.memory_space<vmem>> -> memref<1x16x64xi32, #tpu.memory_space<vmem>>
      %dma_start3A_190 = tpu.memref_squeeze %dma_start3A_189 : memref<1x16x64xi32, #tpu.memory_space<vmem>> -> memref<16x64xi32, #tpu.memory_space<vmem>>
      %dma_start3A_191 = arith.constant 0 : i32
      %dma_start3A_192 = arith.constant 0 : i32
      %dma_start3A_193 = tpu.memref_slice %arg2[%add3A, %dma_start3A_191, %dma_start3A_192] : memref<32x160x64xi32, #tpu.memory_space<hbm>> -> memref<1x160x64xi32, #tpu.memory_space<hbm>>
      %dma_start3A_194 = tpu.memref_squeeze %dma_start3A_193 : memref<1x160x64xi32, #tpu.memory_space<hbm>> -> memref<160x64xi32, #tpu.memory_space<hbm>>
      %dma_start3A_195 = arith.constant 0 : i32
      %dma_start3A_196 = arith.constant 0 : i32
      %dma_start3A_197 = tpu.memref_slice %dma_start3A_194[%dma_start3A_195, %dma_start3A_196] : memref<160x64xi32, #tpu.memory_space<hbm>> -> memref<16x64xi32, #tpu.memory_space<hbm>>
      tpu.enqueue_dma source(%dma_start3A_197 : memref<16x64xi32, #tpu.memory_space<hbm>>) target(%dma_start3A_190 : memref<16x64xi32, #tpu.memory_space<vmem>>) target_semaphore(%run_scoped3A_175 : memref<!tpu.dma_semaphore, #tpu.memory_space<semaphore_mem>>)
      %dma_wait3A_198 = arith.constant 0 : i32
      %dma_wait3A_199 = arith.constant 0 : i32
      %dma_wait3A_200 = tpu.memref_slice %arg7[%run_scoped3A, %dma_wait3A_198, %dma_wait3A_199] : memref<2x16x64xi32, #tpu.memory_space<vmem>> -> memref<1x16x64xi32, #tpu.memory_space<vmem>>
      %dma_wait3A_201 = tpu.memref_squeeze %dma_wait3A_200 : memref<1x16x64xi32, #tpu.memory_space<vmem>> -> memref<16x64xi32, #tpu.memory_space<vmem>>
      %dma_wait3A_202 = arith.constant 0 : i32
      %dma_wait3A_203 = arith.constant 0 : i32
      %dma_wait3A_204 = tpu.memref_slice %arg2[%add3A, %dma_wait3A_202, %dma_wait3A_203] : memref<32x160x64xi32, #tpu.memory_space<hbm>> -> memref<1x160x64xi32, #tpu.memory_space<hbm>>
      %dma_wait3A_205 = tpu.memref_squeeze %dma_wait3A_204 : memref<1x160x64xi32, #tpu.memory_space<hbm>> -> memref<160x64xi32, #tpu.memory_space<hbm>>
      %dma_wait3A_206 = arith.constant 0 : i32
      %dma_wait3A_207 = arith.constant 0 : i32
      %dma_wait3A_208 = tpu.memref_slice %dma_wait3A_205[%dma_wait3A_206, %dma_wait3A_207] : memref<160x64xi32, #tpu.memory_space<hbm>> -> memref<16x64xi32, #tpu.memory_space<hbm>>
      %dma_wait3A_209 = arith.constant 0 : i32
      %dma_wait3A_210 = arith.constant 0 : i32
      %dma_wait3A_211 = tpu.memref_slice %arg7[%run_scoped3A, %dma_wait3A_209, %dma_wait3A_210] : memref<2x16x64xi32, #tpu.memory_space<vmem>> -> memref<1x16x64xi32, #tpu.memory_space<vmem>>
      %dma_wait3A_212 = tpu.memref_squeeze %dma_wait3A_211 : memref<1x16x64xi32, #tpu.memory_space<vmem>> -> memref<16x64xi32, #tpu.memory_space<vmem>>
      %dma_wait3A_213 = arith.constant 0 : i32
      %dma_wait3A_214 = arith.constant 0 : i32
      %dma_wait3A_215 = tpu.memref_slice %arg2[%add3A, %dma_wait3A_213, %dma_wait3A_214] : memref<32x160x64xi32, #tpu.memory_space<hbm>> -> memref<1x160x64xi32, #tpu.memory_space<hbm>>
      %dma_wait3A_216 = tpu.memref_squeeze %dma_wait3A_215 : memref<1x160x64xi32, #tpu.memory_space<hbm>> -> memref<160x64xi32, #tpu.memory_space<hbm>>
      %dma_wait3A_217 = arith.constant 0 : i32
      %dma_wait3A_218 = arith.constant 0 : i32
      %dma_wait3A_219 = tpu.memref_slice %dma_wait3A_216[%dma_wait3A_217, %dma_wait3A_218] : memref<160x64xi32, #tpu.memory_space<hbm>> -> memref<16x64xi32, #tpu.memory_space<hbm>>
      tpu.wait_dma2 semaphore(%run_scoped3A_175 : memref<!tpu.dma_semaphore, #tpu.memory_space<semaphore_mem>>) src(%dma_wait3A_219 : memref<16x64xi32, #tpu.memory_space<hbm>>) dst(%dma_wait3A_212 : memref<16x64xi32, #tpu.memory_space<vmem>>)
      tpu.yield
    }) : () -> ()
    %run_scoped3A_3 = arith.constant 0 : i32
    "tpu.region"() ({
      %run_scoped3A_175 = tpu.sem_alloc : memref<!tpu.dma_semaphore, #tpu.memory_space<semaphore_mem>>
      %dma_start3A_176 = arith.constant 0 : i32
      %dma_start3A_177 = arith.constant 0 : i32
      %dma_start3A_178 = tpu.memref_slice %arg8[%run_scoped3A_3, %dma_start3A_176, %dma_start3A_177] : memref<2x16x64xi32, #tpu.memory_space<vmem>> -> memref<1x16x64xi32, #tpu.memory_space<vmem>>
      %dma_start3A_179 = tpu.memref_squeeze %dma_start3A_178 : memref<1x16x64xi32, #tpu.memory_space<vmem>> -> memref<16x64xi32, #tpu.memory_space<vmem>>
      %dma_start3A_180 = arith.constant 0 : i32
      %dma_start3A_181 = arith.constant 0 : i32
      %dma_start3A_182 = tpu.memref_slice %arg3[%add3A, %dma_start3A_180, %dma_start3A_181] : memref<32x160x64xi32, #tpu.memory_space<hbm>> -> memref<1x160x64xi32, #tpu.memory_space<hbm>>
      %dma_start3A_183 = tpu.memref_squeeze %dma_start3A_182 : memref<1x160x64xi32, #tpu.memory_space<hbm>> -> memref<160x64xi32, #tpu.memory_space<hbm>>
      %dma_start3A_184 = arith.constant 0 : i32
      %dma_start3A_185 = arith.constant 0 : i32
      %dma_start3A_186 = tpu.memref_slice %dma_start3A_183[%dma_start3A_184, %dma_start3A_185] : memref<160x64xi32, #tpu.memory_space<hbm>> -> memref<16x64xi32, #tpu.memory_space<hbm>>
      %dma_start3A_187 = arith.constant 0 : i32
      %dma_start3A_188 = arith.constant 0 : i32
      %dma_start3A_189 = tpu.memref_slice %arg8[%run_scoped3A_3, %dma_start3A_187, %dma_start3A_188] : memref<2x16x64xi32, #tpu.memory_space<vmem>> -> memref<1x16x64xi32, #tpu.memory_space<vmem>>
      %dma_start3A_190 = tpu.memref_squeeze %dma_start3A_189 : memref<1x16x64xi32, #tpu.memory_space<vmem>> -> memref<16x64xi32, #tpu.memory_space<vmem>>
      %dma_start3A_191 = arith.constant 0 : i32
      %dma_start3A_192 = arith.constant 0 : i32
      %dma_start3A_193 = tpu.memref_slice %arg3[%add3A, %dma_start3A_191, %dma_start3A_192] : memref<32x160x64xi32, #tpu.memory_space<hbm>> -> memref<1x160x64xi32, #tpu.memory_space<hbm>>
      %dma_start3A_194 = tpu.memref_squeeze %dma_start3A_193 : memref<1x160x64xi32, #tpu.memory_space<hbm>> -> memref<160x64xi32, #tpu.memory_space<hbm>>
      %dma_start3A_195 = arith.constant 0 : i32
      %dma_start3A_196 = arith.constant 0 : i32
      %dma_start3A_197 = tpu.memref_slice %dma_start3A_194[%dma_start3A_195, %dma_start3A_196] : memref<160x64xi32, #tpu.memory_space<hbm>> -> memref<16x64xi32, #tpu.memory_space<hbm>>
      tpu.enqueue_dma source(%dma_start3A_197 : memref<16x64xi32, #tpu.memory_space<hbm>>) target(%dma_start3A_190 : memref<16x64xi32, #tpu.memory_space<vmem>>) target_semaphore(%run_scoped3A_175 : memref<!tpu.dma_semaphore, #tpu.memory_space<semaphore_mem>>)
      %dma_wait3A_198 = arith.constant 0 : i32
      %dma_wait3A_199 = arith.constant 0 : i32
      %dma_wait3A_200 = tpu.memref_slice %arg8[%run_scoped3A_3, %dma_wait3A_198, %dma_wait3A_199] : memref<2x16x64xi32, #tpu.memory_space<vmem>> -> memref<1x16x64xi32, #tpu.memory_space<vmem>>
      %dma_wait3A_201 = tpu.memref_squeeze %dma_wait3A_200 : memref<1x16x64xi32, #tpu.memory_space<vmem>> -> memref<16x64xi32, #tpu.memory_space<vmem>>
      %dma_wait3A_202 = arith.constant 0 : i32
      %dma_wait3A_203 = arith.constant 0 : i32
      %dma_wait3A_204 = tpu.memref_slice %arg3[%add3A, %dma_wait3A_202, %dma_wait3A_203] : memref<32x160x64xi32, #tpu.memory_space<hbm>> -> memref<1x160x64xi32, #tpu.memory_space<hbm>>
      %dma_wait3A_205 = tpu.memref_squeeze %dma_wait3A_204 : memref<1x160x64xi32, #tpu.memory_space<hbm>> -> memref<160x64xi32, #tpu.memory_space<hbm>>
      %dma_wait3A_206 = arith.constant 0 : i32
      %dma_wait3A_207 = arith.constant 0 : i32
      %dma_wait3A_208 = tpu.memref_slice %dma_wait3A_205[%dma_wait3A_206, %dma_wait3A_207] : memref<160x64xi32, #tpu.memory_space<hbm>> -> memref<16x64xi32, #tpu.memory_space<hbm>>
      %dma_wait3A_209 = arith.constant 0 : i32
      %dma_wait3A_210 = arith.constant 0 : i32
      %dma_wait3A_211 = tpu.memref_slice %arg8[%run_scoped3A_3, %dma_wait3A_209, %dma_wait3A_210] : memref<2x16x64xi32, #tpu.memory_space<vmem>> -> memref<1x16x64xi32, #tpu.memory_space<vmem>>
      %dma_wait3A_212 = tpu.memref_squeeze %dma_wait3A_211 : memref<1x16x64xi32, #tpu.memory_space<vmem>> -> memref<16x64xi32, #tpu.memory_space<vmem>>
      %dma_wait3A_213 = arith.constant 0 : i32
      %dma_wait3A_214 = arith.constant 0 : i32
      %dma_wait3A_215 = tpu.memref_slice %arg3[%add3A, %dma_wait3A_213, %dma_wait3A_214] : memref<32x160x64xi32, #tpu.memory_space<hbm>> -> memref<1x160x64xi32, #tpu.memory_space<hbm>>
      %dma_wait3A_216 = tpu.memref_squeeze %dma_wait3A_215 : memref<1x160x64xi32, #tpu.memory_space<hbm>> -> memref<160x64xi32, #tpu.memory_space<hbm>>
      %dma_wait3A_217 = arith.constant 0 : i32
      %dma_wait3A_218 = arith.constant 0 : i32
      %dma_wait3A_219 = tpu.memref_slice %dma_wait3A_216[%dma_wait3A_217, %dma_wait3A_218] : memref<160x64xi32, #tpu.memory_space<hbm>> -> memref<16x64xi32, #tpu.memory_space<hbm>>
      tpu.wait_dma2 semaphore(%run_scoped3A_175 : memref<!tpu.dma_semaphore, #tpu.memory_space<semaphore_mem>>) src(%dma_wait3A_219 : memref<16x64xi32, #tpu.memory_space<hbm>>) dst(%dma_wait3A_212 : memref<16x64xi32, #tpu.memory_space<vmem>>)
      tpu.yield
    }) : () -> ()
    %dma_start3A = arith.constant 1 : i32
    %dma_start3A_4 = arith.constant 0 : i32
    %dma_start3A_5 = arith.constant 0 : i32
    %dma_start3A_6 = tpu.memref_slice %arg7[%dma_start3A, %dma_start3A_4, %dma_start3A_5] : memref<2x16x64xi32, #tpu.memory_space<vmem>> -> memref<1x16x64xi32, #tpu.memory_space<vmem>>
    %dma_start3A_7 = tpu.memref_squeeze %dma_start3A_6 : memref<1x16x64xi32, #tpu.memory_space<vmem>> -> memref<16x64xi32, #tpu.memory_space<vmem>>
    %dma_start3A_8 = arith.constant 0 : i32
    %dma_start3A_9 = arith.constant 0 : i32
    %dma_start3A_10 = tpu.memref_slice %arg2[%add3A, %dma_start3A_8, %dma_start3A_9] : memref<32x160x64xi32, #tpu.memory_space<hbm>> -> memref<1x160x64xi32, #tpu.memory_space<hbm>>
    %dma_start3A_11 = tpu.memref_squeeze %dma_start3A_10 : memref<1x160x64xi32, #tpu.memory_space<hbm>> -> memref<160x64xi32, #tpu.memory_space<hbm>>
    %dma_start3A_12 = arith.constant 16 : i32
    %dma_start3A_13 = arith.constant 0 : i32
    %dma_start3A_14 = tpu.memref_slice %dma_start3A_11[%dma_start3A_12, %dma_start3A_13] : memref<160x64xi32, #tpu.memory_space<hbm>> -> memref<16x64xi32, #tpu.memory_space<hbm>>
    %dma_start3A_15 = arith.constant 0 : i32
    %dma_start3A_16 = arith.constant 0 : i32
    %dma_start3A_17 = tpu.memref_slice %arg7[%dma_start3A, %dma_start3A_15, %dma_start3A_16] : memref<2x16x64xi32, #tpu.memory_space<vmem>> -> memref<1x16x64xi32, #tpu.memory_space<vmem>>
    %dma_start3A_18 = tpu.memref_squeeze %dma_start3A_17 : memref<1x16x64xi32, #tpu.memory_space<vmem>> -> memref<16x64xi32, #tpu.memory_space<vmem>>
    %dma_start3A_19 = arith.constant 0 : i32
    %dma_start3A_20 = arith.constant 0 : i32
    %dma_start3A_21 = tpu.memref_slice %arg2[%add3A, %dma_start3A_19, %dma_start3A_20] : memref<32x160x64xi32, #tpu.memory_space<hbm>> -> memref<1x160x64xi32, #tpu.memory_space<hbm>>
    %dma_start3A_22 = tpu.memref_squeeze %dma_start3A_21 : memref<1x160x64xi32, #tpu.memory_space<hbm>> -> memref<160x64xi32, #tpu.memory_space<hbm>>
    %dma_start3A_23 = arith.constant 16 : i32
    %dma_start3A_24 = arith.constant 0 : i32
    %dma_start3A_25 = tpu.memref_slice %dma_start3A_22[%dma_start3A_23, %dma_start3A_24] : memref<160x64xi32, #tpu.memory_space<hbm>> -> memref<16x64xi32, #tpu.memory_space<hbm>>
    tpu.enqueue_dma source(%dma_start3A_25 : memref<16x64xi32, #tpu.memory_space<hbm>>) target(%dma_start3A_18 : memref<16x64xi32, #tpu.memory_space<vmem>>) target_semaphore(%arg21 : memref<!tpu.dma_semaphore, #tpu.memory_space<semaphore_mem>>)
    %dma_start3A_26 = arith.constant 1 : i32
    %dma_start3A_27 = arith.constant 0 : i32
    %dma_start3A_28 = arith.constant 0 : i32
    %dma_start3A_29 = tpu.memref_slice %arg8[%dma_start3A_26, %dma_start3A_27, %dma_start3A_28] : memref<2x16x64xi32, #tpu.memory_space<vmem>> -> memref<1x16x64xi32, #tpu.memory_space<vmem>>
    %dma_start3A_30 = tpu.memref_squeeze %dma_start3A_29 : memref<1x16x64xi32, #tpu.memory_space<vmem>> -> memref<16x64xi32, #tpu.memory_space<vmem>>
    %dma_start3A_31 = arith.constant 0 : i32
    %dma_start3A_32 = arith.constant 0 : i32
    %dma_start3A_33 = tpu.memref_slice %arg3[%add3A, %dma_start3A_31, %dma_start3A_32] : memref<32x160x64xi32, #tpu.memory_space<hbm>> -> memref<1x160x64xi32, #tpu.memory_space<hbm>>
    %dma_start3A_34 = tpu.memref_squeeze %dma_start3A_33 : memref<1x160x64xi32, #tpu.memory_space<hbm>> -> memref<160x64xi32, #tpu.memory_space<hbm>>
    %dma_start3A_35 = arith.constant 16 : i32
    %dma_start3A_36 = arith.constant 0 : i32
    %dma_start3A_37 = tpu.memref_slice %dma_start3A_34[%dma_start3A_35, %dma_start3A_36] : memref<160x64xi32, #tpu.memory_space<hbm>> -> memref<16x64xi32, #tpu.memory_space<hbm>>
    %dma_start3A_38 = arith.constant 0 : i32
    %dma_start3A_39 = arith.constant 0 : i32
    %dma_start3A_40 = tpu.memref_slice %arg8[%dma_start3A_26, %dma_start3A_38, %dma_start3A_39] : memref<2x16x64xi32, #tpu.memory_space<vmem>> -> memref<1x16x64xi32, #tpu.memory_space<vmem>>
    %dma_start3A_41 = tpu.memref_squeeze %dma_start3A_40 : memref<1x16x64xi32, #tpu.memory_space<vmem>> -> memref<16x64xi32, #tpu.memory_space<vmem>>
    %dma_start3A_42 = arith.constant 0 : i32
    %dma_start3A_43 = arith.constant 0 : i32
    %dma_start3A_44 = tpu.memref_slice %arg3[%add3A, %dma_start3A_42, %dma_start3A_43] : memref<32x160x64xi32, #tpu.memory_space<hbm>> -> memref<1x160x64xi32, #tpu.memory_space<hbm>>
    %dma_start3A_45 = tpu.memref_squeeze %dma_start3A_44 : memref<1x160x64xi32, #tpu.memory_space<hbm>> -> memref<160x64xi32, #tpu.memory_space<hbm>>
    %dma_start3A_46 = arith.constant 16 : i32
    %dma_start3A_47 = arith.constant 0 : i32
    %dma_start3A_48 = tpu.memref_slice %dma_start3A_45[%dma_start3A_46, %dma_start3A_47] : memref<160x64xi32, #tpu.memory_space<hbm>> -> memref<16x64xi32, #tpu.memory_space<hbm>>
    tpu.enqueue_dma source(%dma_start3A_48 : memref<16x64xi32, #tpu.memory_space<hbm>>) target(%dma_start3A_41 : memref<16x64xi32, #tpu.memory_space<vmem>>) target_semaphore(%arg21 : memref<!tpu.dma_semaphore, #tpu.memory_space<semaphore_mem>>)
    %barrier3A = arith.constant 0 : index
    tpu.barrier barrier_id(%barrier3A)
    %dma_start3A_49 = arith.constant 0 : i32
    %dma_start3A_50 = arith.constant 0 : i32
    %dma_start3A_51 = arith.constant 0 : i32
    %dma_start3A_52 = arith.constant 0 : i32
    %dma_start3A_53 = arith.constant 0 : i32
    %dma_start3A_54 = tpu.memref_slice %arg9[%dma_start3A_51, %dma_start3A_52, %dma_start3A_53] : memref<5x64x128xf32, #tpu.memory_space<vmem>> -> memref<1x64x128xf32, #tpu.memory_space<vmem>>
    %dma_start3A_55 = tpu.memref_squeeze %dma_start3A_54 : memref<1x64x128xf32, #tpu.memory_space<vmem>> -> memref<64x128xf32, #tpu.memory_space<vmem>>
    %dma_start3A_56 = arith.constant 0 : i32
    %dma_start3A_57 = tpu.memref_slice %arg7[%dma_start3A_49, %dma_start3A_50, %dma_start3A_56] : memref<2x16x64xi32, #tpu.memory_space<vmem>> -> memref<1x1x64xi32, #tpu.memory_space<vmem>>
    %dma_start3A_58 = tpu.memref_squeeze %dma_start3A_57 : memref<1x1x64xi32, #tpu.memory_space<vmem>> -> memref<64xi32, #tpu.memory_space<vmem>>
    %dma_start3A_59 = arith.constant 0 : i32
    %dma_start3A_60 = arith.constant 0 : i32
    %dma_start3A_61 = tpu.memref_slice %arg4[%dma_start3A_59, %dma_start3A_60] : memref<10240x128xf32, #tpu.memory_space<hbm>> -> memref<10240x128xf32, #tpu.memory_space<hbm>>
    tpu.enqueue_indirect_dma source(%dma_start3A_61 : memref<10240x128xf32, #tpu.memory_space<hbm>>) target(%dma_start3A_55 : memref<64x128xf32, #tpu.memory_space<vmem>>) offsets(%dma_start3A_58 : memref<64xi32, #tpu.memory_space<vmem>>) semaphore(%arg11 : memref<!tpu.dma_semaphore, #tpu.memory_space<semaphore_mem>>)
    %dma_start3A_62 = arith.constant 0 : i32
    %dma_start3A_63 = arith.constant 1 : i32
    %dma_start3A_64 = arith.constant 1 : i32
    %dma_start3A_65 = arith.constant 0 : i32
    %dma_start3A_66 = arith.constant 0 : i32
    %dma_start3A_67 = tpu.memref_slice %arg9[%dma_start3A_64, %dma_start3A_65, %dma_start3A_66] : memref<5x64x128xf32, #tpu.memory_space<vmem>> -> memref<1x64x128xf32, #tpu.memory_space<vmem>>
    %dma_start3A_68 = tpu.memref_squeeze %dma_start3A_67 : memref<1x64x128xf32, #tpu.memory_space<vmem>> -> memref<64x128xf32, #tpu.memory_space<vmem>>
    %dma_start3A_69 = arith.constant 0 : i32
    %dma_start3A_70 = tpu.memref_slice %arg7[%dma_start3A_62, %dma_start3A_63, %dma_start3A_69] : memref<2x16x64xi32, #tpu.memory_space<vmem>> -> memref<1x1x64xi32, #tpu.memory_space<vmem>>
    %dma_start3A_71 = tpu.memref_squeeze %dma_start3A_70 : memref<1x1x64xi32, #tpu.memory_space<vmem>> -> memref<64xi32, #tpu.memory_space<vmem>>
    %dma_start3A_72 = arith.constant 0 : i32
    %dma_start3A_73 = arith.constant 0 : i32
    %dma_start3A_74 = tpu.memref_slice %arg4[%dma_start3A_72, %dma_start3A_73] : memref<10240x128xf32, #tpu.memory_space<hbm>> -> memref<10240x128xf32, #tpu.memory_space<hbm>>
    tpu.enqueue_indirect_dma source(%dma_start3A_74 : memref<10240x128xf32, #tpu.memory_space<hbm>>) target(%dma_start3A_68 : memref<64x128xf32, #tpu.memory_space<vmem>>) offsets(%dma_start3A_71 : memref<64xi32, #tpu.memory_space<vmem>>) semaphore(%arg12 : memref<!tpu.dma_semaphore, #tpu.memory_space<semaphore_mem>>)
    %dma_start3A_75 = arith.constant 0 : i32
    %dma_start3A_76 = arith.constant 2 : i32
    %dma_start3A_77 = arith.constant 2 : i32
    %dma_start3A_78 = arith.constant 0 : i32
    %dma_start3A_79 = arith.constant 0 : i32
    %dma_start3A_80 = tpu.memref_slice %arg9[%dma_start3A_77, %dma_start3A_78, %dma_start3A_79] : memref<5x64x128xf32, #tpu.memory_space<vmem>> -> memref<1x64x128xf32, #tpu.memory_space<vmem>>
    %dma_start3A_81 = tpu.memref_squeeze %dma_start3A_80 : memref<1x64x128xf32, #tpu.memory_space<vmem>> -> memref<64x128xf32, #tpu.memory_space<vmem>>
    %dma_start3A_82 = arith.constant 0 : i32
    %dma_start3A_83 = tpu.memref_slice %arg7[%dma_start3A_75, %dma_start3A_76, %dma_start3A_82] : memref<2x16x64xi32, #tpu.memory_space<vmem>> -> memref<1x1x64xi32, #tpu.memory_space<vmem>>
    %dma_start3A_84 = tpu.memref_squeeze %dma_start3A_83 : memref<1x1x64xi32, #tpu.memory_space<vmem>> -> memref<64xi32, #tpu.memory_space<vmem>>
    %dma_start3A_85 = arith.constant 0 : i32
    %dma_start3A_86 = arith.constant 0 : i32
    %dma_start3A_87 = tpu.memref_slice %arg4[%dma_start3A_85, %dma_start3A_86] : memref<10240x128xf32, #tpu.memory_space<hbm>> -> memref<10240x128xf32, #tpu.memory_space<hbm>>
    tpu.enqueue_indirect_dma source(%dma_start3A_87 : memref<10240x128xf32, #tpu.memory_space<hbm>>) target(%dma_start3A_81 : memref<64x128xf32, #tpu.memory_space<vmem>>) offsets(%dma_start3A_84 : memref<64xi32, #tpu.memory_space<vmem>>) semaphore(%arg13 : memref<!tpu.dma_semaphore, #tpu.memory_space<semaphore_mem>>)
    %dma_start3A_88 = arith.constant 0 : i32
    %dma_start3A_89 = arith.constant 3 : i32
    %dma_start3A_90 = arith.constant 3 : i32
    %dma_start3A_91 = arith.constant 0 : i32
    %dma_start3A_92 = arith.constant 0 : i32
    %dma_start3A_93 = tpu.memref_slice %arg9[%dma_start3A_90, %dma_start3A_91, %dma_start3A_92] : memref<5x64x128xf32, #tpu.memory_space<vmem>> -> memref<1x64x128xf32, #tpu.memory_space<vmem>>
    %dma_start3A_94 = tpu.memref_squeeze %dma_start3A_93 : memref<1x64x128xf32, #tpu.memory_space<vmem>> -> memref<64x128xf32, #tpu.memory_space<vmem>>
    %dma_start3A_95 = arith.constant 0 : i32
    %dma_start3A_96 = tpu.memref_slice %arg7[%dma_start3A_88, %dma_start3A_89, %dma_start3A_95] : memref<2x16x64xi32, #tpu.memory_space<vmem>> -> memref<1x1x64xi32, #tpu.memory_space<vmem>>
    %dma_start3A_97 = tpu.memref_squeeze %dma_start3A_96 : memref<1x1x64xi32, #tpu.memory_space<vmem>> -> memref<64xi32, #tpu.memory_space<vmem>>
    %dma_start3A_98 = arith.constant 0 : i32
    %dma_start3A_99 = arith.constant 0 : i32
    %dma_start3A_100 = tpu.memref_slice %arg4[%dma_start3A_98, %dma_start3A_99] : memref<10240x128xf32, #tpu.memory_space<hbm>> -> memref<10240x128xf32, #tpu.memory_space<hbm>>
    tpu.enqueue_indirect_dma source(%dma_start3A_100 : memref<10240x128xf32, #tpu.memory_space<hbm>>) target(%dma_start3A_94 : memref<64x128xf32, #tpu.memory_space<vmem>>) offsets(%dma_start3A_97 : memref<64xi32, #tpu.memory_space<vmem>>) semaphore(%arg14 : memref<!tpu.dma_semaphore, #tpu.memory_space<semaphore_mem>>)
    %scan3A = arith.constant 0 : i32
    %scan3A_101 = arith.constant 0 : i32
    %scan3A_102 = arith.constant 160 : i32
    %scan3A_103 = arith.addi %scan3A_101, %scan3A_102 : i32
    %scan3A_104 = arith.constant 1 : i32
    scf.for %scan3A_175 = %scan3A_101 to %scan3A_103 step %scan3A_104  : i32 {
      %jit3A = arith.constant 16 : i32
      %div3A = arith.divsi %scan3A_175, %jit3A : i32
      %sign3A = arith.constant 0 : i32
      %sign3A_176 = arith.cmpi sgt, %scan3A_175, %sign3A : i32
      %sign3A_177 = arith.extui %sign3A_176 : i1 to i32
      %sign3A_178 = arith.constant 0 : i32
      %sign3A_179 = arith.cmpi slt, %scan3A_175, %sign3A_178 : i32
      %sign3A_180 = arith.extui %sign3A_179 : i1 to i32
      %sign3A_181 = arith.subi %sign3A_177, %sign3A_180 : i32
      %sign3A_182 = arith.constant 0 : i32
      %sign3A_183 = arith.cmpi sgt, %jit3A, %sign3A_182 : i32
      %sign3A_184 = arith.extui %sign3A_183 : i1 to i32
      %sign3A_185 = arith.constant 0 : i32
      %sign3A_186 = arith.cmpi slt, %jit3A, %sign3A_185 : i32
      %sign3A_187 = arith.extui %sign3A_186 : i1 to i32
      %sign3A_188 = arith.subi %sign3A_184, %sign3A_187 : i32
      %ne3A = arith.cmpi ne, %sign3A_181, %sign3A_188 : i32
      %rem3A = arith.remsi %scan3A_175, %jit3A : i32
      %ne3A_189 = arith.constant 0 : i32
      %ne3A_190 = arith.cmpi ne, %rem3A, %ne3A_189 : i32
      %and3A = arith.andi %ne3A, %ne3A_190 : i1
      %sub3A = arith.constant 1 : i32
      %sub3A_191 = arith.subi %div3A, %sub3A : i32
      %select_n3A = arith.select %and3A, %sub3A_191, %div3A : i32
      %jit3A_192 = arith.constant 16 : i32
      %eq3A = arith.constant 0 : i32
      %eq3A_193 = arith.cmpi eq, %jit3A_192, %eq3A : i32
      %jit3A_194 = arith.constant 1 : i32
      %select_n3A_195 = arith.select %eq3A_193, %jit3A_194, %jit3A_192 : i32
      %rem3A_196 = arith.remsi %scan3A_175, %select_n3A_195 : i32
      %ne3A_197 = arith.constant 0 : i32
      %ne3A_198 = arith.cmpi ne, %rem3A_196, %ne3A_197 : i32
      %lt3A = arith.constant 0 : i32
      %lt3A_199 = arith.cmpi slt, %rem3A_196, %lt3A : i32
      %lt3A_200 = arith.constant 0 : i32
      %lt3A_201 = arith.cmpi slt, %select_n3A_195, %lt3A_200 : i32
      %ne3A_202 = arith.xori %lt3A_199, %lt3A_201 : i1
      %and3A_203 = arith.andi %ne3A_202, %ne3A_198 : i1
      %add3A_204 = arith.addi %rem3A_196, %select_n3A_195 : i32
      %select_n3A_205 = arith.select %and3A_203, %add3A_204, %rem3A_196 : i32
      %jit3A_206 = arith.constant 2 : i32
      %eq3A_207 = arith.constant 0 : i32
      %eq3A_208 = arith.cmpi eq, %jit3A_206, %eq3A_207 : i32
      %jit3A_209 = arith.constant 1 : i32
      %select_n3A_210 = arith.select %eq3A_208, %jit3A_209, %jit3A_206 : i32
      %rem3A_211 = arith.remsi %select_n3A, %select_n3A_210 : i32
      %ne3A_212 = arith.constant 0 : i32
      %ne3A_213 = arith.cmpi ne, %rem3A_211, %ne3A_212 : i32
      %lt3A_214 = arith.constant 0 : i32
      %lt3A_215 = arith.cmpi slt, %rem3A_211, %lt3A_214 : i32
      %lt3A_216 = arith.constant 0 : i32
      %lt3A_217 = arith.cmpi slt, %select_n3A_210, %lt3A_216 : i32
      %ne3A_218 = arith.xori %lt3A_215, %lt3A_217 : i1
      %and3A_219 = arith.andi %ne3A_218, %ne3A_213 : i1
      %add3A_220 = arith.addi %rem3A_211, %select_n3A_210 : i32
      %select_n3A_221 = arith.select %and3A_219, %add3A_220, %rem3A_211 : i32
      %eq3A_222 = arith.constant 1 : i32
      %eq3A_223 = arith.cmpi eq, %select_n3A_205, %eq3A_222 : i32
      %ge3A = arith.constant 1 : i32
      %ge3A_224 = arith.cmpi sge, %select_n3A, %ge3A : i32
      %and3A_225 = arith.andi %eq3A_223, %ge3A_224 : i1
      %add3A_226 = arith.constant 1 : i32
      %add3A_227 = arith.addi %select_n3A, %add3A_226 : i32
      %lt3A_228 = arith.constant 10 : i32
      %lt3A_229 = arith.cmpi slt, %add3A_227, %lt3A_228 : i32
      %and3A_230 = arith.andi %and3A_225, %lt3A_229 : i1
      %convert_element_type3A = arith.extui %and3A_230 : i1 to i32
      %cond3A = arith.constant 0 : i32
      %cond3A_231 = arith.cmpi ne, %convert_element_type3A, %cond3A : i32
      scf.if %cond3A_231 {
        %add3A_347 = arith.constant 1 : i32
        %add3A_348 = arith.addi %select_n3A, %add3A_347 : i32
        %jit3A_349 = arith.constant 2 : i32
        %eq3A_350 = arith.constant 0 : i32
        %eq3A_351 = arith.cmpi eq, %jit3A_349, %eq3A_350 : i32
        %jit3A_352 = arith.constant 1 : i32
        %select_n3A_353 = arith.select %eq3A_351, %jit3A_352, %jit3A_349 : i32
        %rem3A_354 = arith.remsi %add3A_348, %select_n3A_353 : i32
        %ne3A_355 = arith.constant 0 : i32
        %ne3A_356 = arith.cmpi ne, %rem3A_354, %ne3A_355 : i32
        %lt3A_357 = arith.constant 0 : i32
        %lt3A_358 = arith.cmpi slt, %rem3A_354, %lt3A_357 : i32
        %lt3A_359 = arith.constant 0 : i32
        %lt3A_360 = arith.cmpi slt, %select_n3A_353, %lt3A_359 : i32
        %ne3A_361 = arith.xori %lt3A_358, %lt3A_360 : i1
        %and3A_362 = arith.andi %ne3A_361, %ne3A_356 : i1
        %add3A_363 = arith.addi %rem3A_354, %select_n3A_353 : i32
        %select_n3A_364 = arith.select %and3A_362, %add3A_363, %rem3A_354 : i32
        %add3A_365 = arith.constant 1 : i32
        %add3A_366 = arith.addi %select_n3A, %add3A_365 : i32
        %mul3A_367 = arith.constant 16 : i32
        %mul3A_368 = arith.muli %add3A_366, %mul3A_367 : i32
        %dma_start3A_369 = arith.constant 0 : i32
        %dma_start3A_370 = arith.constant 0 : i32
        %dma_start3A_371 = tpu.memref_slice %arg7[%select_n3A_364, %dma_start3A_369, %dma_start3A_370] : memref<2x16x64xi32, #tpu.memory_space<vmem>> -> memref<1x16x64xi32, #tpu.memory_space<vmem>>
        %dma_start3A_372 = tpu.memref_squeeze %dma_start3A_371 : memref<1x16x64xi32, #tpu.memory_space<vmem>> -> memref<16x64xi32, #tpu.memory_space<vmem>>
        %dma_start3A_373 = arith.constant 0 : i32
        %dma_start3A_374 = arith.constant 0 : i32
        %dma_start3A_375 = tpu.memref_slice %arg2[%add3A, %dma_start3A_373, %dma_start3A_374] : memref<32x160x64xi32, #tpu.memory_space<hbm>> -> memref<1x160x64xi32, #tpu.memory_space<hbm>>
        %dma_start3A_376 = tpu.memref_squeeze %dma_start3A_375 : memref<1x160x64xi32, #tpu.memory_space<hbm>> -> memref<160x64xi32, #tpu.memory_space<hbm>>
        %dma_start3A_377 = arith.constant 0 : i32
        %dma_start3A_378 = tpu.memref_slice %dma_start3A_376[%mul3A_368, %dma_start3A_377] : memref<160x64xi32, #tpu.memory_space<hbm>> -> memref<16x64xi32, #tpu.memory_space<hbm>>
        %dma_start3A_379 = arith.constant 0 : i32
        %dma_start3A_380 = arith.constant 0 : i32
        %dma_start3A_381 = tpu.memref_slice %arg7[%select_n3A_364, %dma_start3A_379, %dma_start3A_380] : memref<2x16x64xi32, #tpu.memory_space<vmem>> -> memref<1x16x64xi32, #tpu.memory_space<vmem>>
        %dma_start3A_382 = tpu.memref_squeeze %dma_start3A_381 : memref<1x16x64xi32, #tpu.memory_space<vmem>> -> memref<16x64xi32, #tpu.memory_space<vmem>>
        %dma_start3A_383 = arith.constant 0 : i32
        %dma_start3A_384 = arith.constant 0 : i32
        %dma_start3A_385 = tpu.memref_slice %arg2[%add3A, %dma_start3A_383, %dma_start3A_384] : memref<32x160x64xi32, #tpu.memory_space<hbm>> -> memref<1x160x64xi32, #tpu.memory_space<hbm>>
        %dma_start3A_386 = tpu.memref_squeeze %dma_start3A_385 : memref<1x160x64xi32, #tpu.memory_space<hbm>> -> memref<160x64xi32, #tpu.memory_space<hbm>>
        %dma_start3A_387 = arith.constant 0 : i32
        %dma_start3A_388 = tpu.memref_slice %dma_start3A_386[%mul3A_368, %dma_start3A_387] : memref<160x64xi32, #tpu.memory_space<hbm>> -> memref<16x64xi32, #tpu.memory_space<hbm>>
        tpu.enqueue_dma source(%dma_start3A_388 : memref<16x64xi32, #tpu.memory_space<hbm>>) target(%dma_start3A_382 : memref<16x64xi32, #tpu.memory_space<vmem>>) target_semaphore(%arg21 : memref<!tpu.dma_semaphore, #tpu.memory_space<semaphore_mem>>)
        %add3A_389 = arith.constant 1 : i32
        %add3A_390 = arith.addi %select_n3A, %add3A_389 : i32
        %mul3A_391 = arith.constant 16 : i32
        %mul3A_392 = arith.muli %add3A_390, %mul3A_391 : i32
        %dma_start3A_393 = arith.constant 0 : i32
        %dma_start3A_394 = arith.constant 0 : i32
        %dma_start3A_395 = tpu.memref_slice %arg8[%select_n3A_364, %dma_start3A_393, %dma_start3A_394] : memref<2x16x64xi32, #tpu.memory_space<vmem>> -> memref<1x16x64xi32, #tpu.memory_space<vmem>>
        %dma_start3A_396 = tpu.memref_squeeze %dma_start3A_395 : memref<1x16x64xi32, #tpu.memory_space<vmem>> -> memref<16x64xi32, #tpu.memory_space<vmem>>
        %dma_start3A_397 = arith.constant 0 : i32
        %dma_start3A_398 = arith.constant 0 : i32
        %dma_start3A_399 = tpu.memref_slice %arg3[%add3A, %dma_start3A_397, %dma_start3A_398] : memref<32x160x64xi32, #tpu.memory_space<hbm>> -> memref<1x160x64xi32, #tpu.memory_space<hbm>>
        %dma_start3A_400 = tpu.memref_squeeze %dma_start3A_399 : memref<1x160x64xi32, #tpu.memory_space<hbm>> -> memref<160x64xi32, #tpu.memory_space<hbm>>
        %dma_start3A_401 = arith.constant 0 : i32
        %dma_start3A_402 = tpu.memref_slice %dma_start3A_400[%mul3A_392, %dma_start3A_401] : memref<160x64xi32, #tpu.memory_space<hbm>> -> memref<16x64xi32, #tpu.memory_space<hbm>>
        %dma_start3A_403 = arith.constant 0 : i32
        %dma_start3A_404 = arith.constant 0 : i32
        %dma_start3A_405 = tpu.memref_slice %arg8[%select_n3A_364, %dma_start3A_403, %dma_start3A_404] : memref<2x16x64xi32, #tpu.memory_space<vmem>> -> memref<1x16x64xi32, #tpu.memory_space<vmem>>
        %dma_start3A_406 = tpu.memref_squeeze %dma_start3A_405 : memref<1x16x64xi32, #tpu.memory_space<vmem>> -> memref<16x64xi32, #tpu.memory_space<vmem>>
        %dma_start3A_407 = arith.constant 0 : i32
        %dma_start3A_408 = arith.constant 0 : i32
        %dma_start3A_409 = tpu.memref_slice %arg3[%add3A, %dma_start3A_407, %dma_start3A_408] : memref<32x160x64xi32, #tpu.memory_space<hbm>> -> memref<1x160x64xi32, #tpu.memory_space<hbm>>
        %dma_start3A_410 = tpu.memref_squeeze %dma_start3A_409 : memref<1x160x64xi32, #tpu.memory_space<hbm>> -> memref<160x64xi32, #tpu.memory_space<hbm>>
        %dma_start3A_411 = arith.constant 0 : i32
        %dma_start3A_412 = tpu.memref_slice %dma_start3A_410[%mul3A_392, %dma_start3A_411] : memref<160x64xi32, #tpu.memory_space<hbm>> -> memref<16x64xi32, #tpu.memory_space<hbm>>
        tpu.enqueue_dma source(%dma_start3A_412 : memref<16x64xi32, #tpu.memory_space<hbm>>) target(%dma_start3A_406 : memref<16x64xi32, #tpu.memory_space<vmem>>) target_semaphore(%arg21 : memref<!tpu.dma_semaphore, #tpu.memory_space<semaphore_mem>>)
      } else {
      }
      %eq3A_232 = arith.constant 12 : i32
      %eq3A_233 = arith.cmpi eq, %select_n3A_205, %eq3A_232 : i32
      %add3A_234 = arith.constant 1 : i32
      %add3A_235 = arith.addi %select_n3A, %add3A_234 : i32
      %lt3A_236 = arith.constant 10 : i32
      %lt3A_237 = arith.cmpi slt, %add3A_235, %lt3A_236 : i32
      %and3A_238 = arith.andi %eq3A_233, %lt3A_237 : i1
      %convert_element_type3A_239 = arith.extui %and3A_238 : i1 to i32
      %cond3A_240 = arith.constant 0 : i32
      %cond3A_241 = arith.cmpi ne, %convert_element_type3A_239, %cond3A_240 : i32
      scf.if %cond3A_241 {
        %add3A_347 = arith.constant 1 : i32
        %add3A_348 = arith.addi %select_n3A, %add3A_347 : i32
        %jit3A_349 = arith.constant 2 : i32
        %eq3A_350 = arith.constant 0 : i32
        %eq3A_351 = arith.cmpi eq, %jit3A_349, %eq3A_350 : i32
        %jit3A_352 = arith.constant 1 : i32
        %select_n3A_353 = arith.select %eq3A_351, %jit3A_352, %jit3A_349 : i32
        %rem3A_354 = arith.remsi %add3A_348, %select_n3A_353 : i32
        %ne3A_355 = arith.constant 0 : i32
        %ne3A_356 = arith.cmpi ne, %rem3A_354, %ne3A_355 : i32
        %lt3A_357 = arith.constant 0 : i32
        %lt3A_358 = arith.cmpi slt, %rem3A_354, %lt3A_357 : i32
        %lt3A_359 = arith.constant 0 : i32
        %lt3A_360 = arith.cmpi slt, %select_n3A_353, %lt3A_359 : i32
        %ne3A_361 = arith.xori %lt3A_358, %lt3A_360 : i1
        %and3A_362 = arith.andi %ne3A_361, %ne3A_356 : i1
        %add3A_363 = arith.addi %rem3A_354, %select_n3A_353 : i32
        %select_n3A_364 = arith.select %and3A_362, %add3A_363, %rem3A_354 : i32
        %add3A_365 = arith.constant 1 : i32
        %add3A_366 = arith.addi %select_n3A, %add3A_365 : i32
        %mul3A_367 = arith.constant 16 : i32
        %mul3A_368 = arith.muli %add3A_366, %mul3A_367 : i32
        %dma_wait3A_369 = arith.constant 0 : i32
        %dma_wait3A_370 = arith.constant 0 : i32
        %dma_wait3A_371 = tpu.memref_slice %arg7[%select_n3A_364, %dma_wait3A_369, %dma_wait3A_370] : memref<2x16x64xi32, #tpu.memory_space<vmem>> -> memref<1x16x64xi32, #tpu.memory_space<vmem>>
        %dma_wait3A_372 = tpu.memref_squeeze %dma_wait3A_371 : memref<1x16x64xi32, #tpu.memory_space<vmem>> -> memref<16x64xi32, #tpu.memory_space<vmem>>
        %dma_wait3A_373 = arith.constant 0 : i32
        %dma_wait3A_374 = arith.constant 0 : i32
        %dma_wait3A_375 = tpu.memref_slice %arg2[%add3A, %dma_wait3A_373, %dma_wait3A_374] : memref<32x160x64xi32, #tpu.memory_space<hbm>> -> memref<1x160x64xi32, #tpu.memory_space<hbm>>
        %dma_wait3A_376 = tpu.memref_squeeze %dma_wait3A_375 : memref<1x160x64xi32, #tpu.memory_space<hbm>> -> memref<160x64xi32, #tpu.memory_space<hbm>>
        %dma_wait3A_377 = arith.constant 0 : i32
        %dma_wait3A_378 = tpu.memref_slice %dma_wait3A_376[%mul3A_368, %dma_wait3A_377] : memref<160x64xi32, #tpu.memory_space<hbm>> -> memref<16x64xi32, #tpu.memory_space<hbm>>
        %dma_wait3A_379 = arith.constant 0 : i32
        %dma_wait3A_380 = arith.constant 0 : i32
        %dma_wait3A_381 = tpu.memref_slice %arg7[%select_n3A_364, %dma_wait3A_379, %dma_wait3A_380] : memref<2x16x64xi32, #tpu.memory_space<vmem>> -> memref<1x16x64xi32, #tpu.memory_space<vmem>>
        %dma_wait3A_382 = tpu.memref_squeeze %dma_wait3A_381 : memref<1x16x64xi32, #tpu.memory_space<vmem>> -> memref<16x64xi32, #tpu.memory_space<vmem>>
        %dma_wait3A_383 = arith.constant 0 : i32
        %dma_wait3A_384 = arith.constant 0 : i32
        %dma_wait3A_385 = tpu.memref_slice %arg2[%add3A, %dma_wait3A_383, %dma_wait3A_384] : memref<32x160x64xi32, #tpu.memory_space<hbm>> -> memref<1x160x64xi32, #tpu.memory_space<hbm>>
        %dma_wait3A_386 = tpu.memref_squeeze %dma_wait3A_385 : memref<1x160x64xi32, #tpu.memory_space<hbm>> -> memref<160x64xi32, #tpu.memory_space<hbm>>
        %dma_wait3A_387 = arith.constant 0 : i32
        %dma_wait3A_388 = tpu.memref_slice %dma_wait3A_386[%mul3A_368, %dma_wait3A_387] : memref<160x64xi32, #tpu.memory_space<hbm>> -> memref<16x64xi32, #tpu.memory_space<hbm>>
        tpu.wait_dma2 semaphore(%arg21 : memref<!tpu.dma_semaphore, #tpu.memory_space<semaphore_mem>>) src(%dma_wait3A_388 : memref<16x64xi32, #tpu.memory_space<hbm>>) dst(%dma_wait3A_382 : memref<16x64xi32, #tpu.memory_space<vmem>>)
        %add3A_389 = arith.constant 1 : i32
        %add3A_390 = arith.addi %select_n3A, %add3A_389 : i32
        %mul3A_391 = arith.constant 16 : i32
        %mul3A_392 = arith.muli %add3A_390, %mul3A_391 : i32
        %dma_wait3A_393 = arith.constant 0 : i32
        %dma_wait3A_394 = arith.constant 0 : i32
        %dma_wait3A_395 = tpu.memref_slice %arg8[%select_n3A_364, %dma_wait3A_393, %dma_wait3A_394] : memref<2x16x64xi32, #tpu.memory_space<vmem>> -> memref<1x16x64xi32, #tpu.memory_space<vmem>>
        %dma_wait3A_396 = tpu.memref_squeeze %dma_wait3A_395 : memref<1x16x64xi32, #tpu.memory_space<vmem>> -> memref<16x64xi32, #tpu.memory_space<vmem>>
        %dma_wait3A_397 = arith.constant 0 : i32
        %dma_wait3A_398 = arith.constant 0 : i32
        %dma_wait3A_399 = tpu.memref_slice %arg3[%add3A, %dma_wait3A_397, %dma_wait3A_398] : memref<32x160x64xi32, #tpu.memory_space<hbm>> -> memref<1x160x64xi32, #tpu.memory_space<hbm>>
        %dma_wait3A_400 = tpu.memref_squeeze %dma_wait3A_399 : memref<1x160x64xi32, #tpu.memory_space<hbm>> -> memref<160x64xi32, #tpu.memory_space<hbm>>
        %dma_wait3A_401 = arith.constant 0 : i32
        %dma_wait3A_402 = tpu.memref_slice %dma_wait3A_400[%mul3A_392, %dma_wait3A_401] : memref<160x64xi32, #tpu.memory_space<hbm>> -> memref<16x64xi32, #tpu.memory_space<hbm>>
        %dma_wait3A_403 = arith.constant 0 : i32
        %dma_wait3A_404 = arith.constant 0 : i32
        %dma_wait3A_405 = tpu.memref_slice %arg8[%select_n3A_364, %dma_wait3A_403, %dma_wait3A_404] : memref<2x16x64xi32, #tpu.memory_space<vmem>> -> memref<1x16x64xi32, #tpu.memory_space<vmem>>
        %dma_wait3A_406 = tpu.memref_squeeze %dma_wait3A_405 : memref<1x16x64xi32, #tpu.memory_space<vmem>> -> memref<16x64xi32, #tpu.memory_space<vmem>>
        %dma_wait3A_407 = arith.constant 0 : i32
        %dma_wait3A_408 = arith.constant 0 : i32
        %dma_wait3A_409 = tpu.memref_slice %arg3[%add3A, %dma_wait3A_407, %dma_wait3A_408] : memref<32x160x64xi32, #tpu.memory_space<hbm>> -> memref<1x160x64xi32, #tpu.memory_space<hbm>>
        %dma_wait3A_410 = tpu.memref_squeeze %dma_wait3A_409 : memref<1x160x64xi32, #tpu.memory_space<hbm>> -> memref<160x64xi32, #tpu.memory_space<hbm>>
        %dma_wait3A_411 = arith.constant 0 : i32
        %dma_wait3A_412 = tpu.memref_slice %dma_wait3A_410[%mul3A_392, %dma_wait3A_411] : memref<160x64xi32, #tpu.memory_space<hbm>> -> memref<16x64xi32, #tpu.memory_space<hbm>>
        tpu.wait_dma2 semaphore(%arg21 : memref<!tpu.dma_semaphore, #tpu.memory_space<semaphore_mem>>) src(%dma_wait3A_412 : memref<16x64xi32, #tpu.memory_space<hbm>>) dst(%dma_wait3A_406 : memref<16x64xi32, #tpu.memory_space<vmem>>)
      } else {
      }
      %jit3A_242 = arith.constant 5 : i32
      %eq3A_243 = arith.constant 0 : i32
      %eq3A_244 = arith.cmpi eq, %jit3A_242, %eq3A_243 : i32
      %jit3A_245 = arith.constant 1 : i32
      %select_n3A_246 = arith.select %eq3A_244, %jit3A_245, %jit3A_242 : i32
      %rem3A_247 = arith.remsi %scan3A_175, %select_n3A_246 : i32
      %ne3A_248 = arith.constant 0 : i32
      %ne3A_249 = arith.cmpi ne, %rem3A_247, %ne3A_248 : i32
      %lt3A_250 = arith.constant 0 : i32
      %lt3A_251 = arith.cmpi slt, %rem3A_247, %lt3A_250 : i32
      %lt3A_252 = arith.constant 0 : i32
      %lt3A_253 = arith.cmpi slt, %select_n3A_246, %lt3A_252 : i32
      %ne3A_254 = arith.xori %lt3A_251, %lt3A_253 : i1
      %and3A_255 = arith.andi %ne3A_254, %ne3A_249 : i1
      %add3A_256 = arith.addi %rem3A_247, %select_n3A_246 : i32
      %select_n3A_257 = arith.select %and3A_255, %add3A_256, %rem3A_247 : i32
      %eq3A_258 = arith.constant 0 : i32
      %eq3A_259 = arith.cmpi eq, %select_n3A_257, %eq3A_258 : i32
      %convert_element_type3A_260 = arith.extui %eq3A_259 : i1 to i32
      %cond3A_261 = arith.constant 0 : i32
      %cond3A_262 = arith.cmpi ne, %convert_element_type3A_260, %cond3A_261 : i32
      scf.if %cond3A_262 {
        %add3A_347 = arith.constant 4 : i32
        %add3A_348 = arith.addi %scan3A_175, %add3A_347 : i32
        %lt3A_349 = arith.constant 160 : i32
        %lt3A_350 = arith.cmpi slt, %add3A_348, %lt3A_349 : i32
        %convert_element_type3A_351 = arith.extui %lt3A_350 : i1 to i32
        %cond3A_352 = arith.constant 0 : i32
        %cond3A_353 = arith.cmpi ne, %convert_element_type3A_351, %cond3A_352 : i32
        scf.if %cond3A_353 {
          %ge3A_376 = arith.constant 1 : i32
          %ge3A_377 = arith.cmpi sge, %scan3A_175, %ge3A_376 : i32
          %convert_element_type3A_378 = arith.extui %ge3A_377 : i1 to i32
          %cond3A_379 = arith.constant 0 : i32
          %cond3A_380 = arith.cmpi ne, %convert_element_type3A_378, %cond3A_379 : i32
          scf.if %cond3A_380 {
            %sub3A_450 = arith.constant 1 : i32
            %sub3A_451 = arith.subi %scan3A_175, %sub3A_450 : i32
            %jit3A_452 = arith.constant 16 : i32
            %div3A_453 = arith.divsi %sub3A_451, %jit3A_452 : i32
            %sign3A_454 = arith.constant 0 : i32
            %sign3A_455 = arith.cmpi sgt, %sub3A_451, %sign3A_454 : i32
            %sign3A_456 = arith.extui %sign3A_455 : i1 to i32
            %sign3A_457 = arith.constant 0 : i32
            %sign3A_458 = arith.cmpi slt, %sub3A_451, %sign3A_457 : i32
            %sign3A_459 = arith.extui %sign3A_458 : i1 to i32
            %sign3A_460 = arith.subi %sign3A_456, %sign3A_459 : i32
            %sign3A_461 = arith.constant 0 : i32
            %sign3A_462 = arith.cmpi sgt, %jit3A_452, %sign3A_461 : i32
            %sign3A_463 = arith.extui %sign3A_462 : i1 to i32
            %sign3A_464 = arith.constant 0 : i32
            %sign3A_465 = arith.cmpi slt, %jit3A_452, %sign3A_464 : i32
            %sign3A_466 = arith.extui %sign3A_465 : i1 to i32
            %sign3A_467 = arith.subi %sign3A_463, %sign3A_466 : i32
            %ne3A_468 = arith.cmpi ne, %sign3A_460, %sign3A_467 : i32
            %rem3A_469 = arith.remsi %sub3A_451, %jit3A_452 : i32
            %ne3A_470 = arith.constant 0 : i32
            %ne3A_471 = arith.cmpi ne, %rem3A_469, %ne3A_470 : i32
            %and3A_472 = arith.andi %ne3A_468, %ne3A_471 : i1
            %sub3A_473 = arith.constant 1 : i32
            %sub3A_474 = arith.subi %div3A_453, %sub3A_473 : i32
            %select_n3A_475 = arith.select %and3A_472, %sub3A_474, %div3A_453 : i32
            %jit3A_476 = arith.constant 2 : i32
            %eq3A_477 = arith.constant 0 : i32
            %eq3A_478 = arith.cmpi eq, %jit3A_476, %eq3A_477 : i32
            %jit3A_479 = arith.constant 1 : i32
            %select_n3A_480 = arith.select %eq3A_478, %jit3A_479, %jit3A_476 : i32
            %rem3A_481 = arith.remsi %select_n3A_475, %select_n3A_480 : i32
            %ne3A_482 = arith.constant 0 : i32
            %ne3A_483 = arith.cmpi ne, %rem3A_481, %ne3A_482 : i32
            %lt3A_484 = arith.constant 0 : i32
            %lt3A_485 = arith.cmpi slt, %rem3A_481, %lt3A_484 : i32
            %lt3A_486 = arith.constant 0 : i32
            %lt3A_487 = arith.cmpi slt, %select_n3A_480, %lt3A_486 : i32
            %ne3A_488 = arith.xori %lt3A_485, %lt3A_487 : i1
            %and3A_489 = arith.andi %ne3A_488, %ne3A_483 : i1
            %add3A_490 = arith.addi %rem3A_481, %select_n3A_480 : i32
            %select_n3A_491 = arith.select %and3A_489, %add3A_490, %rem3A_481 : i32
            %jit3A_492 = arith.constant 16 : i32
            %eq3A_493 = arith.constant 0 : i32
            %eq3A_494 = arith.cmpi eq, %jit3A_492, %eq3A_493 : i32
            %jit3A_495 = arith.constant 1 : i32
            %select_n3A_496 = arith.select %eq3A_494, %jit3A_495, %jit3A_492 : i32
            %rem3A_497 = arith.remsi %sub3A_451, %select_n3A_496 : i32
            %ne3A_498 = arith.constant 0 : i32
            %ne3A_499 = arith.cmpi ne, %rem3A_497, %ne3A_498 : i32
            %lt3A_500 = arith.constant 0 : i32
            %lt3A_501 = arith.cmpi slt, %rem3A_497, %lt3A_500 : i32
            %lt3A_502 = arith.constant 0 : i32
            %lt3A_503 = arith.cmpi slt, %select_n3A_496, %lt3A_502 : i32
            %ne3A_504 = arith.xori %lt3A_501, %lt3A_503 : i1
            %and3A_505 = arith.andi %ne3A_504, %ne3A_499 : i1
            %add3A_506 = arith.addi %rem3A_497, %select_n3A_496 : i32
            %select_n3A_507 = arith.select %and3A_505, %add3A_506, %rem3A_497 : i32
            %dma_wait3A_508 = arith.constant 4 : i32
            %dma_wait3A_509 = arith.constant 0 : i32
            %dma_wait3A_510 = arith.constant 0 : i32
            %dma_wait3A_511 = tpu.memref_slice %arg9[%dma_wait3A_508, %dma_wait3A_509, %dma_wait3A_510] : memref<5x64x128xf32, #tpu.memory_space<vmem>> -> memref<1x64x128xf32, #tpu.memory_space<vmem>>
            %dma_wait3A_512 = tpu.memref_squeeze %dma_wait3A_511 : memref<1x64x128xf32, #tpu.memory_space<vmem>> -> memref<64x128xf32, #tpu.memory_space<vmem>>
            %dma_wait3A_513 = arith.constant 0 : i32
            %dma_wait3A_514 = tpu.memref_slice %arg8[%select_n3A_491, %select_n3A_507, %dma_wait3A_513] : memref<2x16x64xi32, #tpu.memory_space<vmem>> -> memref<1x1x64xi32, #tpu.memory_space<vmem>>
            %dma_wait3A_515 = tpu.memref_squeeze %dma_wait3A_514 : memref<1x1x64xi32, #tpu.memory_space<vmem>> -> memref<64xi32, #tpu.memory_space<vmem>>
            %dma_wait3A_516 = arith.constant 0 : i32
            %dma_wait3A_517 = arith.constant 0 : i32
            %dma_wait3A_518 = tpu.memref_slice %arg10[%dma_wait3A_516, %dma_wait3A_517] : memref<10240x128xf32, #tpu.memory_space<vmem_shared>> -> memref<10240x128xf32, #tpu.memory_space<vmem_shared>>
            tpu.wait_indirect_dma semaphore(%arg20 : memref<!tpu.dma_semaphore, #tpu.memory_space<semaphore_mem>>) src(%dma_wait3A_512 : memref<64x128xf32, #tpu.memory_space<vmem>>) dst(%dma_wait3A_518 : memref<10240x128xf32, #tpu.memory_space<vmem_shared>>)
          } else {
          }
          %add3A_381 = arith.constant 4 : i32
          %add3A_382 = arith.addi %scan3A_175, %add3A_381 : i32
          %jit3A_383 = arith.constant 16 : i32
          %div3A_384 = arith.divsi %add3A_382, %jit3A_383 : i32
          %sign3A_385 = arith.constant 0 : i32
          %sign3A_386 = arith.cmpi sgt, %add3A_382, %sign3A_385 : i32
          %sign3A_387 = arith.extui %sign3A_386 : i1 to i32
          %sign3A_388 = arith.constant 0 : i32
          %sign3A_389 = arith.cmpi slt, %add3A_382, %sign3A_388 : i32
          %sign3A_390 = arith.extui %sign3A_389 : i1 to i32
          %sign3A_391 = arith.subi %sign3A_387, %sign3A_390 : i32
          %sign3A_392 = arith.constant 0 : i32
          %sign3A_393 = arith.cmpi sgt, %jit3A_383, %sign3A_392 : i32
          %sign3A_394 = arith.extui %sign3A_393 : i1 to i32
          %sign3A_395 = arith.constant 0 : i32
          %sign3A_396 = arith.cmpi slt, %jit3A_383, %sign3A_395 : i32
          %sign3A_397 = arith.extui %sign3A_396 : i1 to i32
          %sign3A_398 = arith.subi %sign3A_394, %sign3A_397 : i32
          %ne3A_399 = arith.cmpi ne, %sign3A_391, %sign3A_398 : i32
          %rem3A_400 = arith.remsi %add3A_382, %jit3A_383 : i32
          %ne3A_401 = arith.constant 0 : i32
          %ne3A_402 = arith.cmpi ne, %rem3A_400, %ne3A_401 : i32
          %and3A_403 = arith.andi %ne3A_399, %ne3A_402 : i1
          %sub3A_404 = arith.constant 1 : i32
          %sub3A_405 = arith.subi %div3A_384, %sub3A_404 : i32
          %select_n3A_406 = arith.select %and3A_403, %sub3A_405, %div3A_384 : i32
          %jit3A_407 = arith.constant 2 : i32
          %eq3A_408 = arith.constant 0 : i32
          %eq3A_409 = arith.cmpi eq, %jit3A_407, %eq3A_408 : i32
          %jit3A_410 = arith.constant 1 : i32
          %select_n3A_411 = arith.select %eq3A_409, %jit3A_410, %jit3A_407 : i32
          %rem3A_412 = arith.remsi %select_n3A_406, %select_n3A_411 : i32
          %ne3A_413 = arith.constant 0 : i32
          %ne3A_414 = arith.cmpi ne, %rem3A_412, %ne3A_413 : i32
          %lt3A_415 = arith.constant 0 : i32
          %lt3A_416 = arith.cmpi slt, %rem3A_412, %lt3A_415 : i32
          %lt3A_417 = arith.constant 0 : i32
          %lt3A_418 = arith.cmpi slt, %select_n3A_411, %lt3A_417 : i32
          %ne3A_419 = arith.xori %lt3A_416, %lt3A_418 : i1
          %and3A_420 = arith.andi %ne3A_419, %ne3A_414 : i1
          %add3A_421 = arith.addi %rem3A_412, %select_n3A_411 : i32
          %select_n3A_422 = arith.select %and3A_420, %add3A_421, %rem3A_412 : i32
          %jit3A_423 = arith.constant 16 : i32
          %eq3A_424 = arith.constant 0 : i32
          %eq3A_425 = arith.cmpi eq, %jit3A_423, %eq3A_424 : i32
          %jit3A_426 = arith.constant 1 : i32
          %select_n3A_427 = arith.select %eq3A_425, %jit3A_426, %jit3A_423 : i32
          %rem3A_428 = arith.remsi %add3A_382, %select_n3A_427 : i32
          %ne3A_429 = arith.constant 0 : i32
          %ne3A_430 = arith.cmpi ne, %rem3A_428, %ne3A_429 : i32
          %lt3A_431 = arith.constant 0 : i32
          %lt3A_432 = arith.cmpi slt, %rem3A_428, %lt3A_431 : i32
          %lt3A_433 = arith.constant 0 : i32
          %lt3A_434 = arith.cmpi slt, %select_n3A_427, %lt3A_433 : i32
          %ne3A_435 = arith.xori %lt3A_432, %lt3A_434 : i1
          %and3A_436 = arith.andi %ne3A_435, %ne3A_430 : i1
          %add3A_437 = arith.addi %rem3A_428, %select_n3A_427 : i32
          %select_n3A_438 = arith.select %and3A_436, %add3A_437, %rem3A_428 : i32
          %dma_start3A_439 = arith.constant 4 : i32
          %dma_start3A_440 = arith.constant 0 : i32
          %dma_start3A_441 = arith.constant 0 : i32
          %dma_start3A_442 = tpu.memref_slice %arg9[%dma_start3A_439, %dma_start3A_440, %dma_start3A_441] : memref<5x64x128xf32, #tpu.memory_space<vmem>> -> memref<1x64x128xf32, #tpu.memory_space<vmem>>
          %dma_start3A_443 = tpu.memref_squeeze %dma_start3A_442 : memref<1x64x128xf32, #tpu.memory_space<vmem>> -> memref<64x128xf32, #tpu.memory_space<vmem>>
          %dma_start3A_444 = arith.constant 0 : i32
          %dma_start3A_445 = tpu.memref_slice %arg7[%select_n3A_422, %select_n3A_438, %dma_start3A_444] : memref<2x16x64xi32, #tpu.memory_space<vmem>> -> memref<1x1x64xi32, #tpu.memory_space<vmem>>
          %dma_start3A_446 = tpu.memref_squeeze %dma_start3A_445 : memref<1x1x64xi32, #tpu.memory_space<vmem>> -> memref<64xi32, #tpu.memory_space<vmem>>
          %dma_start3A_447 = arith.constant 0 : i32
          %dma_start3A_448 = arith.constant 0 : i32
          %dma_start3A_449 = tpu.memref_slice %arg4[%dma_start3A_447, %dma_start3A_448] : memref<10240x128xf32, #tpu.memory_space<hbm>> -> memref<10240x128xf32, #tpu.memory_space<hbm>>
          tpu.enqueue_indirect_dma source(%dma_start3A_449 : memref<10240x128xf32, #tpu.memory_space<hbm>>) target(%dma_start3A_443 : memref<64x128xf32, #tpu.memory_space<vmem>>) offsets(%dma_start3A_446 : memref<64xi32, #tpu.memory_space<vmem>>) semaphore(%arg15 : memref<!tpu.dma_semaphore, #tpu.memory_space<semaphore_mem>>)
        } else {
        }
        %dma_wait3A_354 = arith.constant 0 : i32
        %dma_wait3A_355 = arith.constant 0 : i32
        %dma_wait3A_356 = arith.constant 0 : i32
        %dma_wait3A_357 = tpu.memref_slice %arg9[%dma_wait3A_354, %dma_wait3A_355, %dma_wait3A_356] : memref<5x64x128xf32, #tpu.memory_space<vmem>> -> memref<1x64x128xf32, #tpu.memory_space<vmem>>
        %dma_wait3A_358 = tpu.memref_squeeze %dma_wait3A_357 : memref<1x64x128xf32, #tpu.memory_space<vmem>> -> memref<64x128xf32, #tpu.memory_space<vmem>>
        %dma_wait3A_359 = arith.constant 0 : i32
        %dma_wait3A_360 = tpu.memref_slice %arg7[%select_n3A_221, %select_n3A_205, %dma_wait3A_359] : memref<2x16x64xi32, #tpu.memory_space<vmem>> -> memref<1x1x64xi32, #tpu.memory_space<vmem>>
        %dma_wait3A_361 = tpu.memref_squeeze %dma_wait3A_360 : memref<1x1x64xi32, #tpu.memory_space<vmem>> -> memref<64xi32, #tpu.memory_space<vmem>>
        %dma_wait3A_362 = arith.constant 0 : i32
        %dma_wait3A_363 = arith.constant 0 : i32
        %dma_wait3A_364 = tpu.memref_slice %arg4[%dma_wait3A_362, %dma_wait3A_363] : memref<10240x128xf32, #tpu.memory_space<hbm>> -> memref<10240x128xf32, #tpu.memory_space<hbm>>
        tpu.wait_indirect_dma semaphore(%arg11 : memref<!tpu.dma_semaphore, #tpu.memory_space<semaphore_mem>>) src(%dma_wait3A_364 : memref<10240x128xf32, #tpu.memory_space<hbm>>) dst(%dma_wait3A_358 : memref<64x128xf32, #tpu.memory_space<vmem>>)
        %dma_start3A_365 = arith.constant 0 : i32
        %dma_start3A_366 = arith.constant 0 : i32
        %dma_start3A_367 = arith.constant 0 : i32
        %dma_start3A_368 = tpu.memref_slice %arg9[%dma_start3A_365, %dma_start3A_366, %dma_start3A_367] : memref<5x64x128xf32, #tpu.memory_space<vmem>> -> memref<1x64x128xf32, #tpu.memory_space<vmem>>
        %dma_start3A_369 = tpu.memref_squeeze %dma_start3A_368 : memref<1x64x128xf32, #tpu.memory_space<vmem>> -> memref<64x128xf32, #tpu.memory_space<vmem>>
        %dma_start3A_370 = arith.constant 0 : i32
        %dma_start3A_371 = tpu.memref_slice %arg8[%select_n3A_221, %select_n3A_205, %dma_start3A_370] : memref<2x16x64xi32, #tpu.memory_space<vmem>> -> memref<1x1x64xi32, #tpu.memory_space<vmem>>
        %dma_start3A_372 = tpu.memref_squeeze %dma_start3A_371 : memref<1x1x64xi32, #tpu.memory_space<vmem>> -> memref<64xi32, #tpu.memory_space<vmem>>
        %dma_start3A_373 = arith.constant 0 : i32
        %dma_start3A_374 = arith.constant 0 : i32
        %dma_start3A_375 = tpu.memref_slice %arg10[%dma_start3A_373, %dma_start3A_374] : memref<10240x128xf32, #tpu.memory_space<vmem_shared>> -> memref<10240x128xf32, #tpu.memory_space<vmem_shared>>
        tpu.enqueue_indirect_dma source(%dma_start3A_369 : memref<64x128xf32, #tpu.memory_space<vmem>>) target(%dma_start3A_375 : memref<10240x128xf32, #tpu.memory_space<vmem_shared>>) offsets(%dma_start3A_372 : memref<64xi32, #tpu.memory_space<vmem>>) semaphore(%arg16 : memref<!tpu.dma_semaphore, #tpu.memory_space<semaphore_mem>>) {add = true}
      } else {
      }
      %jit3A_263 = arith.constant 5 : i32
      %eq3A_264 = arith.constant 0 : i32
      %eq3A_265 = arith.cmpi eq, %jit3A_263, %eq3A_264 : i32
      %jit3A_266 = arith.constant 1 : i32
      %select_n3A_267 = arith.select %eq3A_265, %jit3A_266, %jit3A_263 : i32
      %rem3A_268 = arith.remsi %scan3A_175, %select_n3A_267 : i32
      %ne3A_269 = arith.constant 0 : i32
      %ne3A_270 = arith.cmpi ne, %rem3A_268, %ne3A_269 : i32
      %lt3A_271 = arith.constant 0 : i32
      %lt3A_272 = arith.cmpi slt, %rem3A_268, %lt3A_271 : i32
      %lt3A_273 = arith.constant 0 : i32
      %lt3A_274 = arith.cmpi slt, %select_n3A_267, %lt3A_273 : i32
      %ne3A_275 = arith.xori %lt3A_272, %lt3A_274 : i1
      %and3A_276 = arith.andi %ne3A_275, %ne3A_270 : i1
      %add3A_277 = arith.addi %rem3A_268, %select_n3A_267 : i32
      %select_n3A_278 = arith.select %and3A_276, %add3A_277, %rem3A_268 : i32
      %eq3A_279 = arith.constant 1 : i32
      %eq3A_280 = arith.cmpi eq, %select_n3A_278, %eq3A_279 : i32
      %convert_element_type3A_281 = arith.extui %eq3A_280 : i1 to i32
      %cond3A_282 = arith.constant 0 : i32
      %cond3A_283 = arith.cmpi ne, %convert_element_type3A_281, %cond3A_282 : i32
      scf.if %cond3A_283 {
        %add3A_347 = arith.constant 4 : i32
        %add3A_348 = arith.addi %scan3A_175, %add3A_347 : i32
        %lt3A_349 = arith.constant 160 : i32
        %lt3A_350 = arith.cmpi slt, %add3A_348, %lt3A_349 : i32
        %convert_element_type3A_351 = arith.extui %lt3A_350 : i1 to i32
        %cond3A_352 = arith.constant 0 : i32
        %cond3A_353 = arith.cmpi ne, %convert_element_type3A_351, %cond3A_352 : i32
        scf.if %cond3A_353 {
          %ge3A_376 = arith.constant 1 : i32
          %ge3A_377 = arith.cmpi sge, %scan3A_175, %ge3A_376 : i32
          %convert_element_type3A_378 = arith.extui %ge3A_377 : i1 to i32
          %cond3A_379 = arith.constant 0 : i32
          %cond3A_380 = arith.cmpi ne, %convert_element_type3A_378, %cond3A_379 : i32
          scf.if %cond3A_380 {
            %sub3A_450 = arith.constant 1 : i32
            %sub3A_451 = arith.subi %scan3A_175, %sub3A_450 : i32
            %jit3A_452 = arith.constant 16 : i32
            %div3A_453 = arith.divsi %sub3A_451, %jit3A_452 : i32
            %sign3A_454 = arith.constant 0 : i32
            %sign3A_455 = arith.cmpi sgt, %sub3A_451, %sign3A_454 : i32
            %sign3A_456 = arith.extui %sign3A_455 : i1 to i32
            %sign3A_457 = arith.constant 0 : i32
            %sign3A_458 = arith.cmpi slt, %sub3A_451, %sign3A_457 : i32
            %sign3A_459 = arith.extui %sign3A_458 : i1 to i32
            %sign3A_460 = arith.subi %sign3A_456, %sign3A_459 : i32
            %sign3A_461 = arith.constant 0 : i32
            %sign3A_462 = arith.cmpi sgt, %jit3A_452, %sign3A_461 : i32
            %sign3A_463 = arith.extui %sign3A_462 : i1 to i32
            %sign3A_464 = arith.constant 0 : i32
            %sign3A_465 = arith.cmpi slt, %jit3A_452, %sign3A_464 : i32
            %sign3A_466 = arith.extui %sign3A_465 : i1 to i32
            %sign3A_467 = arith.subi %sign3A_463, %sign3A_466 : i32
            %ne3A_468 = arith.cmpi ne, %sign3A_460, %sign3A_467 : i32
            %rem3A_469 = arith.remsi %sub3A_451, %jit3A_452 : i32
            %ne3A_470 = arith.constant 0 : i32
            %ne3A_471 = arith.cmpi ne, %rem3A_469, %ne3A_470 : i32
            %and3A_472 = arith.andi %ne3A_468, %ne3A_471 : i1
            %sub3A_473 = arith.constant 1 : i32
            %sub3A_474 = arith.subi %div3A_453, %sub3A_473 : i32
            %select_n3A_475 = arith.select %and3A_472, %sub3A_474, %div3A_453 : i32
            %jit3A_476 = arith.constant 2 : i32
            %eq3A_477 = arith.constant 0 : i32
            %eq3A_478 = arith.cmpi eq, %jit3A_476, %eq3A_477 : i32
            %jit3A_479 = arith.constant 1 : i32
            %select_n3A_480 = arith.select %eq3A_478, %jit3A_479, %jit3A_476 : i32
            %rem3A_481 = arith.remsi %select_n3A_475, %select_n3A_480 : i32
            %ne3A_482 = arith.constant 0 : i32
            %ne3A_483 = arith.cmpi ne, %rem3A_481, %ne3A_482 : i32
            %lt3A_484 = arith.constant 0 : i32
            %lt3A_485 = arith.cmpi slt, %rem3A_481, %lt3A_484 : i32
            %lt3A_486 = arith.constant 0 : i32
            %lt3A_487 = arith.cmpi slt, %select_n3A_480, %lt3A_486 : i32
            %ne3A_488 = arith.xori %lt3A_485, %lt3A_487 : i1
            %and3A_489 = arith.andi %ne3A_488, %ne3A_483 : i1
            %add3A_490 = arith.addi %rem3A_481, %select_n3A_480 : i32
            %select_n3A_491 = arith.select %and3A_489, %add3A_490, %rem3A_481 : i32
            %jit3A_492 = arith.constant 16 : i32
            %eq3A_493 = arith.constant 0 : i32
            %eq3A_494 = arith.cmpi eq, %jit3A_492, %eq3A_493 : i32
            %jit3A_495 = arith.constant 1 : i32
            %select_n3A_496 = arith.select %eq3A_494, %jit3A_495, %jit3A_492 : i32
            %rem3A_497 = arith.remsi %sub3A_451, %select_n3A_496 : i32
            %ne3A_498 = arith.constant 0 : i32
            %ne3A_499 = arith.cmpi ne, %rem3A_497, %ne3A_498 : i32
            %lt3A_500 = arith.constant 0 : i32
            %lt3A_501 = arith.cmpi slt, %rem3A_497, %lt3A_500 : i32
            %lt3A_502 = arith.constant 0 : i32
            %lt3A_503 = arith.cmpi slt, %select_n3A_496, %lt3A_502 : i32
            %ne3A_504 = arith.xori %lt3A_501, %lt3A_503 : i1
            %and3A_505 = arith.andi %ne3A_504, %ne3A_499 : i1
            %add3A_506 = arith.addi %rem3A_497, %select_n3A_496 : i32
            %select_n3A_507 = arith.select %and3A_505, %add3A_506, %rem3A_497 : i32
            %dma_wait3A_508 = arith.constant 0 : i32
            %dma_wait3A_509 = arith.constant 0 : i32
            %dma_wait3A_510 = arith.constant 0 : i32
            %dma_wait3A_511 = tpu.memref_slice %arg9[%dma_wait3A_508, %dma_wait3A_509, %dma_wait3A_510] : memref<5x64x128xf32, #tpu.memory_space<vmem>> -> memref<1x64x128xf32, #tpu.memory_space<vmem>>
            %dma_wait3A_512 = tpu.memref_squeeze %dma_wait3A_511 : memref<1x64x128xf32, #tpu.memory_space<vmem>> -> memref<64x128xf32, #tpu.memory_space<vmem>>
            %dma_wait3A_513 = arith.constant 0 : i32
            %dma_wait3A_514 = tpu.memref_slice %arg8[%select_n3A_491, %select_n3A_507, %dma_wait3A_513] : memref<2x16x64xi32, #tpu.memory_space<vmem>> -> memref<1x1x64xi32, #tpu.memory_space<vmem>>
            %dma_wait3A_515 = tpu.memref_squeeze %dma_wait3A_514 : memref<1x1x64xi32, #tpu.memory_space<vmem>> -> memref<64xi32, #tpu.memory_space<vmem>>
            %dma_wait3A_516 = arith.constant 0 : i32
            %dma_wait3A_517 = arith.constant 0 : i32
            %dma_wait3A_518 = tpu.memref_slice %arg10[%dma_wait3A_516, %dma_wait3A_517] : memref<10240x128xf32, #tpu.memory_space<vmem_shared>> -> memref<10240x128xf32, #tpu.memory_space<vmem_shared>>
            tpu.wait_indirect_dma semaphore(%arg16 : memref<!tpu.dma_semaphore, #tpu.memory_space<semaphore_mem>>) src(%dma_wait3A_512 : memref<64x128xf32, #tpu.memory_space<vmem>>) dst(%dma_wait3A_518 : memref<10240x128xf32, #tpu.memory_space<vmem_shared>>)
          } else {
          }
          %add3A_381 = arith.constant 4 : i32
          %add3A_382 = arith.addi %scan3A_175, %add3A_381 : i32
          %jit3A_383 = arith.constant 16 : i32
          %div3A_384 = arith.divsi %add3A_382, %jit3A_383 : i32
          %sign3A_385 = arith.constant 0 : i32
          %sign3A_386 = arith.cmpi sgt, %add3A_382, %sign3A_385 : i32
          %sign3A_387 = arith.extui %sign3A_386 : i1 to i32
          %sign3A_388 = arith.constant 0 : i32
          %sign3A_389 = arith.cmpi slt, %add3A_382, %sign3A_388 : i32
          %sign3A_390 = arith.extui %sign3A_389 : i1 to i32
          %sign3A_391 = arith.subi %sign3A_387, %sign3A_390 : i32
          %sign3A_392 = arith.constant 0 : i32
          %sign3A_393 = arith.cmpi sgt, %jit3A_383, %sign3A_392 : i32
          %sign3A_394 = arith.extui %sign3A_393 : i1 to i32
          %sign3A_395 = arith.constant 0 : i32
          %sign3A_396 = arith.cmpi slt, %jit3A_383, %sign3A_395 : i32
          %sign3A_397 = arith.extui %sign3A_396 : i1 to i32
          %sign3A_398 = arith.subi %sign3A_394, %sign3A_397 : i32
          %ne3A_399 = arith.cmpi ne, %sign3A_391, %sign3A_398 : i32
          %rem3A_400 = arith.remsi %add3A_382, %jit3A_383 : i32
          %ne3A_401 = arith.constant 0 : i32
          %ne3A_402 = arith.cmpi ne, %rem3A_400, %ne3A_401 : i32
          %and3A_403 = arith.andi %ne3A_399, %ne3A_402 : i1
          %sub3A_404 = arith.constant 1 : i32
          %sub3A_405 = arith.subi %div3A_384, %sub3A_404 : i32
          %select_n3A_406 = arith.select %and3A_403, %sub3A_405, %div3A_384 : i32
          %jit3A_407 = arith.constant 2 : i32
          %eq3A_408 = arith.constant 0 : i32
          %eq3A_409 = arith.cmpi eq, %jit3A_407, %eq3A_408 : i32
          %jit3A_410 = arith.constant 1 : i32
          %select_n3A_411 = arith.select %eq3A_409, %jit3A_410, %jit3A_407 : i32
          %rem3A_412 = arith.remsi %select_n3A_406, %select_n3A_411 : i32
          %ne3A_413 = arith.constant 0 : i32
          %ne3A_414 = arith.cmpi ne, %rem3A_412, %ne3A_413 : i32
          %lt3A_415 = arith.constant 0 : i32
          %lt3A_416 = arith.cmpi slt, %rem3A_412, %lt3A_415 : i32
          %lt3A_417 = arith.constant 0 : i32
          %lt3A_418 = arith.cmpi slt, %select_n3A_411, %lt3A_417 : i32
          %ne3A_419 = arith.xori %lt3A_416, %lt3A_418 : i1
          %and3A_420 = arith.andi %ne3A_419, %ne3A_414 : i1
          %add3A_421 = arith.addi %rem3A_412, %select_n3A_411 : i32
          %select_n3A_422 = arith.select %and3A_420, %add3A_421, %rem3A_412 : i32
          %jit3A_423 = arith.constant 16 : i32
          %eq3A_424 = arith.constant 0 : i32
          %eq3A_425 = arith.cmpi eq, %jit3A_423, %eq3A_424 : i32
          %jit3A_426 = arith.constant 1 : i32
          %select_n3A_427 = arith.select %eq3A_425, %jit3A_426, %jit3A_423 : i32
          %rem3A_428 = arith.remsi %add3A_382, %select_n3A_427 : i32
          %ne3A_429 = arith.constant 0 : i32
          %ne3A_430 = arith.cmpi ne, %rem3A_428, %ne3A_429 : i32
          %lt3A_431 = arith.constant 0 : i32
          %lt3A_432 = arith.cmpi slt, %rem3A_428, %lt3A_431 : i32
          %lt3A_433 = arith.constant 0 : i32
          %lt3A_434 = arith.cmpi slt, %select_n3A_427, %lt3A_433 : i32
          %ne3A_435 = arith.xori %lt3A_432, %lt3A_434 : i1
          %and3A_436 = arith.andi %ne3A_435, %ne3A_430 : i1
          %add3A_437 = arith.addi %rem3A_428, %select_n3A_427 : i32
          %select_n3A_438 = arith.select %and3A_436, %add3A_437, %rem3A_428 : i32
          %dma_start3A_439 = arith.constant 0 : i32
          %dma_start3A_440 = arith.constant 0 : i32
          %dma_start3A_441 = arith.constant 0 : i32
          %dma_start3A_442 = tpu.memref_slice %arg9[%dma_start3A_439, %dma_start3A_440, %dma_start3A_441] : memref<5x64x128xf32, #tpu.memory_space<vmem>> -> memref<1x64x128xf32, #tpu.memory_space<vmem>>
          %dma_start3A_443 = tpu.memref_squeeze %dma_start3A_442 : memref<1x64x128xf32, #tpu.memory_space<vmem>> -> memref<64x128xf32, #tpu.memory_space<vmem>>
          %dma_start3A_444 = arith.constant 0 : i32
          %dma_start3A_445 = tpu.memref_slice %arg7[%select_n3A_422, %select_n3A_438, %dma_start3A_444] : memref<2x16x64xi32, #tpu.memory_space<vmem>> -> memref<1x1x64xi32, #tpu.memory_space<vmem>>
          %dma_start3A_446 = tpu.memref_squeeze %dma_start3A_445 : memref<1x1x64xi32, #tpu.memory_space<vmem>> -> memref<64xi32, #tpu.memory_space<vmem>>
          %dma_start3A_447 = arith.constant 0 : i32
          %dma_start3A_448 = arith.constant 0 : i32
          %dma_start3A_449 = tpu.memref_slice %arg4[%dma_start3A_447, %dma_start3A_448] : memref<10240x128xf32, #tpu.memory_space<hbm>> -> memref<10240x128xf32, #tpu.memory_space<hbm>>
          tpu.enqueue_indirect_dma source(%dma_start3A_449 : memref<10240x128xf32, #tpu.memory_space<hbm>>) target(%dma_start3A_443 : memref<64x128xf32, #tpu.memory_space<vmem>>) offsets(%dma_start3A_446 : memref<64xi32, #tpu.memory_space<vmem>>) semaphore(%arg11 : memref<!tpu.dma_semaphore, #tpu.memory_space<semaphore_mem>>)
        } else {
        }
        %dma_wait3A_354 = arith.constant 1 : i32
        %dma_wait3A_355 = arith.constant 0 : i32
        %dma_wait3A_356 = arith.constant 0 : i32
        %dma_wait3A_357 = tpu.memref_slice %arg9[%dma_wait3A_354, %dma_wait3A_355, %dma_wait3A_356] : memref<5x64x128xf32, #tpu.memory_space<vmem>> -> memref<1x64x128xf32, #tpu.memory_space<vmem>>
        %dma_wait3A_358 = tpu.memref_squeeze %dma_wait3A_357 : memref<1x64x128xf32, #tpu.memory_space<vmem>> -> memref<64x128xf32, #tpu.memory_space<vmem>>
        %dma_wait3A_359 = arith.constant 0 : i32
        %dma_wait3A_360 = tpu.memref_slice %arg7[%select_n3A_221, %select_n3A_205, %dma_wait3A_359] : memref<2x16x64xi32, #tpu.memory_space<vmem>> -> memref<1x1x64xi32, #tpu.memory_space<vmem>>
        %dma_wait3A_361 = tpu.memref_squeeze %dma_wait3A_360 : memref<1x1x64xi32, #tpu.memory_space<vmem>> -> memref<64xi32, #tpu.memory_space<vmem>>
        %dma_wait3A_362 = arith.constant 0 : i32
        %dma_wait3A_363 = arith.constant 0 : i32
        %dma_wait3A_364 = tpu.memref_slice %arg4[%dma_wait3A_362, %dma_wait3A_363] : memref<10240x128xf32, #tpu.memory_space<hbm>> -> memref<10240x128xf32, #tpu.memory_space<hbm>>
        tpu.wait_indirect_dma semaphore(%arg12 : memref<!tpu.dma_semaphore, #tpu.memory_space<semaphore_mem>>) src(%dma_wait3A_364 : memref<10240x128xf32, #tpu.memory_space<hbm>>) dst(%dma_wait3A_358 : memref<64x128xf32, #tpu.memory_space<vmem>>)
        %dma_start3A_365 = arith.constant 1 : i32
        %dma_start3A_366 = arith.constant 0 : i32
        %dma_start3A_367 = arith.constant 0 : i32
        %dma_start3A_368 = tpu.memref_slice %arg9[%dma_start3A_365, %dma_start3A_366, %dma_start3A_367] : memref<5x64x128xf32, #tpu.memory_space<vmem>> -> memref<1x64x128xf32, #tpu.memory_space<vmem>>
        %dma_start3A_369 = tpu.memref_squeeze %dma_start3A_368 : memref<1x64x128xf32, #tpu.memory_space<vmem>> -> memref<64x128xf32, #tpu.memory_space<vmem>>
        %dma_start3A_370 = arith.constant 0 : i32
        %dma_start3A_371 = tpu.memref_slice %arg8[%select_n3A_221, %select_n3A_205, %dma_start3A_370] : memref<2x16x64xi32, #tpu.memory_space<vmem>> -> memref<1x1x64xi32, #tpu.memory_space<vmem>>
        %dma_start3A_372 = tpu.memref_squeeze %dma_start3A_371 : memref<1x1x64xi32, #tpu.memory_space<vmem>> -> memref<64xi32, #tpu.memory_space<vmem>>
        %dma_start3A_373 = arith.constant 0 : i32
        %dma_start3A_374 = arith.constant 0 : i32
        %dma_start3A_375 = tpu.memref_slice %arg10[%dma_start3A_373, %dma_start3A_374] : memref<10240x128xf32, #tpu.memory_space<vmem_shared>> -> memref<10240x128xf32, #tpu.memory_space<vmem_shared>>
        tpu.enqueue_indirect_dma source(%dma_start3A_369 : memref<64x128xf32, #tpu.memory_space<vmem>>) target(%dma_start3A_375 : memref<10240x128xf32, #tpu.memory_space<vmem_shared>>) offsets(%dma_start3A_372 : memref<64xi32, #tpu.memory_space<vmem>>) semaphore(%arg17 : memref<!tpu.dma_semaphore, #tpu.memory_space<semaphore_mem>>) {add = true}
      } else {
      }
      %jit3A_284 = arith.constant 5 : i32
      %eq3A_285 = arith.constant 0 : i32
      %eq3A_286 = arith.cmpi eq, %jit3A_284, %eq3A_285 : i32
      %jit3A_287 = arith.constant 1 : i32
      %select_n3A_288 = arith.select %eq3A_286, %jit3A_287, %jit3A_284 : i32
      %rem3A_289 = arith.remsi %scan3A_175, %select_n3A_288 : i32
      %ne3A_290 = arith.constant 0 : i32
      %ne3A_291 = arith.cmpi ne, %rem3A_289, %ne3A_290 : i32
      %lt3A_292 = arith.constant 0 : i32
      %lt3A_293 = arith.cmpi slt, %rem3A_289, %lt3A_292 : i32
      %lt3A_294 = arith.constant 0 : i32
      %lt3A_295 = arith.cmpi slt, %select_n3A_288, %lt3A_294 : i32
      %ne3A_296 = arith.xori %lt3A_293, %lt3A_295 : i1
      %and3A_297 = arith.andi %ne3A_296, %ne3A_291 : i1
      %add3A_298 = arith.addi %rem3A_289, %select_n3A_288 : i32
      %select_n3A_299 = arith.select %and3A_297, %add3A_298, %rem3A_289 : i32
      %eq3A_300 = arith.constant 2 : i32
      %eq3A_301 = arith.cmpi eq, %select_n3A_299, %eq3A_300 : i32
      %convert_element_type3A_302 = arith.extui %eq3A_301 : i1 to i32
      %cond3A_303 = arith.constant 0 : i32
      %cond3A_304 = arith.cmpi ne, %convert_element_type3A_302, %cond3A_303 : i32
      scf.if %cond3A_304 {
        %add3A_347 = arith.constant 4 : i32
        %add3A_348 = arith.addi %scan3A_175, %add3A_347 : i32
        %lt3A_349 = arith.constant 160 : i32
        %lt3A_350 = arith.cmpi slt, %add3A_348, %lt3A_349 : i32
        %convert_element_type3A_351 = arith.extui %lt3A_350 : i1 to i32
        %cond3A_352 = arith.constant 0 : i32
        %cond3A_353 = arith.cmpi ne, %convert_element_type3A_351, %cond3A_352 : i32
        scf.if %cond3A_353 {
          %ge3A_376 = arith.constant 1 : i32
          %ge3A_377 = arith.cmpi sge, %scan3A_175, %ge3A_376 : i32
          %convert_element_type3A_378 = arith.extui %ge3A_377 : i1 to i32
          %cond3A_379 = arith.constant 0 : i32
          %cond3A_380 = arith.cmpi ne, %convert_element_type3A_378, %cond3A_379 : i32
          scf.if %cond3A_380 {
            %sub3A_450 = arith.constant 1 : i32
            %sub3A_451 = arith.subi %scan3A_175, %sub3A_450 : i32
            %jit3A_452 = arith.constant 16 : i32
            %div3A_453 = arith.divsi %sub3A_451, %jit3A_452 : i32
            %sign3A_454 = arith.constant 0 : i32
            %sign3A_455 = arith.cmpi sgt, %sub3A_451, %sign3A_454 : i32
            %sign3A_456 = arith.extui %sign3A_455 : i1 to i32
            %sign3A_457 = arith.constant 0 : i32
            %sign3A_458 = arith.cmpi slt, %sub3A_451, %sign3A_457 : i32
            %sign3A_459 = arith.extui %sign3A_458 : i1 to i32
            %sign3A_460 = arith.subi %sign3A_456, %sign3A_459 : i32
            %sign3A_461 = arith.constant 0 : i32
            %sign3A_462 = arith.cmpi sgt, %jit3A_452, %sign3A_461 : i32
            %sign3A_463 = arith.extui %sign3A_462 : i1 to i32
            %sign3A_464 = arith.constant 0 : i32
            %sign3A_465 = arith.cmpi slt, %jit3A_452, %sign3A_464 : i32
            %sign3A_466 = arith.extui %sign3A_465 : i1 to i32
            %sign3A_467 = arith.subi %sign3A_463, %sign3A_466 : i32
            %ne3A_468 = arith.cmpi ne, %sign3A_460, %sign3A_467 : i32
            %rem3A_469 = arith.remsi %sub3A_451, %jit3A_452 : i32
            %ne3A_470 = arith.constant 0 : i32
            %ne3A_471 = arith.cmpi ne, %rem3A_469, %ne3A_470 : i32
            %and3A_472 = arith.andi %ne3A_468, %ne3A_471 : i1
            %sub3A_473 = arith.constant 1 : i32
            %sub3A_474 = arith.subi %div3A_453, %sub3A_473 : i32
            %select_n3A_475 = arith.select %and3A_472, %sub3A_474, %div3A_453 : i32
            %jit3A_476 = arith.constant 2 : i32
            %eq3A_477 = arith.constant 0 : i32
            %eq3A_478 = arith.cmpi eq, %jit3A_476, %eq3A_477 : i32
            %jit3A_479 = arith.constant 1 : i32
            %select_n3A_480 = arith.select %eq3A_478, %jit3A_479, %jit3A_476 : i32
            %rem3A_481 = arith.remsi %select_n3A_475, %select_n3A_480 : i32
            %ne3A_482 = arith.constant 0 : i32
            %ne3A_483 = arith.cmpi ne, %rem3A_481, %ne3A_482 : i32
            %lt3A_484 = arith.constant 0 : i32
            %lt3A_485 = arith.cmpi slt, %rem3A_481, %lt3A_484 : i32
            %lt3A_486 = arith.constant 0 : i32
            %lt3A_487 = arith.cmpi slt, %select_n3A_480, %lt3A_486 : i32
            %ne3A_488 = arith.xori %lt3A_485, %lt3A_487 : i1
            %and3A_489 = arith.andi %ne3A_488, %ne3A_483 : i1
            %add3A_490 = arith.addi %rem3A_481, %select_n3A_480 : i32
            %select_n3A_491 = arith.select %and3A_489, %add3A_490, %rem3A_481 : i32
            %jit3A_492 = arith.constant 16 : i32
            %eq3A_493 = arith.constant 0 : i32
            %eq3A_494 = arith.cmpi eq, %jit3A_492, %eq3A_493 : i32
            %jit3A_495 = arith.constant 1 : i32
            %select_n3A_496 = arith.select %eq3A_494, %jit3A_495, %jit3A_492 : i32
            %rem3A_497 = arith.remsi %sub3A_451, %select_n3A_496 : i32
            %ne3A_498 = arith.constant 0 : i32
            %ne3A_499 = arith.cmpi ne, %rem3A_497, %ne3A_498 : i32
            %lt3A_500 = arith.constant 0 : i32
            %lt3A_501 = arith.cmpi slt, %rem3A_497, %lt3A_500 : i32
            %lt3A_502 = arith.constant 0 : i32
            %lt3A_503 = arith.cmpi slt, %select_n3A_496, %lt3A_502 : i32
            %ne3A_504 = arith.xori %lt3A_501, %lt3A_503 : i1
            %and3A_505 = arith.andi %ne3A_504, %ne3A_499 : i1
            %add3A_506 = arith.addi %rem3A_497, %select_n3A_496 : i32
            %select_n3A_507 = arith.select %and3A_505, %add3A_506, %rem3A_497 : i32
            %dma_wait3A_508 = arith.constant 1 : i32
            %dma_wait3A_509 = arith.constant 0 : i32
            %dma_wait3A_510 = arith.constant 0 : i32
            %dma_wait3A_511 = tpu.memref_slice %arg9[%dma_wait3A_508, %dma_wait3A_509, %dma_wait3A_510] : memref<5x64x128xf32, #tpu.memory_space<vmem>> -> memref<1x64x128xf32, #tpu.memory_space<vmem>>
            %dma_wait3A_512 = tpu.memref_squeeze %dma_wait3A_511 : memref<1x64x128xf32, #tpu.memory_space<vmem>> -> memref<64x128xf32, #tpu.memory_space<vmem>>
            %dma_wait3A_513 = arith.constant 0 : i32
            %dma_wait3A_514 = tpu.memref_slice %arg8[%select_n3A_491, %select_n3A_507, %dma_wait3A_513] : memref<2x16x64xi32, #tpu.memory_space<vmem>> -> memref<1x1x64xi32, #tpu.memory_space<vmem>>
            %dma_wait3A_515 = tpu.memref_squeeze %dma_wait3A_514 : memref<1x1x64xi32, #tpu.memory_space<vmem>> -> memref<64xi32, #tpu.memory_space<vmem>>
            %dma_wait3A_516 = arith.constant 0 : i32
            %dma_wait3A_517 = arith.constant 0 : i32
            %dma_wait3A_518 = tpu.memref_slice %arg10[%dma_wait3A_516, %dma_wait3A_517] : memref<10240x128xf32, #tpu.memory_space<vmem_shared>> -> memref<10240x128xf32, #tpu.memory_space<vmem_shared>>
            tpu.wait_indirect_dma semaphore(%arg17 : memref<!tpu.dma_semaphore, #tpu.memory_space<semaphore_mem>>) src(%dma_wait3A_512 : memref<64x128xf32, #tpu.memory_space<vmem>>) dst(%dma_wait3A_518 : memref<10240x128xf32, #tpu.memory_space<vmem_shared>>)
          } else {
          }
          %add3A_381 = arith.constant 4 : i32
          %add3A_382 = arith.addi %scan3A_175, %add3A_381 : i32
          %jit3A_383 = arith.constant 16 : i32
          %div3A_384 = arith.divsi %add3A_382, %jit3A_383 : i32
          %sign3A_385 = arith.constant 0 : i32
          %sign3A_386 = arith.cmpi sgt, %add3A_382, %sign3A_385 : i32
          %sign3A_387 = arith.extui %sign3A_386 : i1 to i32
          %sign3A_388 = arith.constant 0 : i32
          %sign3A_389 = arith.cmpi slt, %add3A_382, %sign3A_388 : i32
          %sign3A_390 = arith.extui %sign3A_389 : i1 to i32
          %sign3A_391 = arith.subi %sign3A_387, %sign3A_390 : i32
          %sign3A_392 = arith.constant 0 : i32
          %sign3A_393 = arith.cmpi sgt, %jit3A_383, %sign3A_392 : i32
          %sign3A_394 = arith.extui %sign3A_393 : i1 to i32
          %sign3A_395 = arith.constant 0 : i32
          %sign3A_396 = arith.cmpi slt, %jit3A_383, %sign3A_395 : i32
          %sign3A_397 = arith.extui %sign3A_396 : i1 to i32
          %sign3A_398 = arith.subi %sign3A_394, %sign3A_397 : i32
          %ne3A_399 = arith.cmpi ne, %sign3A_391, %sign3A_398 : i32
          %rem3A_400 = arith.remsi %add3A_382, %jit3A_383 : i32
          %ne3A_401 = arith.constant 0 : i32
          %ne3A_402 = arith.cmpi ne, %rem3A_400, %ne3A_401 : i32
          %and3A_403 = arith.andi %ne3A_399, %ne3A_402 : i1
          %sub3A_404 = arith.constant 1 : i32
          %sub3A_405 = arith.subi %div3A_384, %sub3A_404 : i32
          %select_n3A_406 = arith.select %and3A_403, %sub3A_405, %div3A_384 : i32
          %jit3A_407 = arith.constant 2 : i32
          %eq3A_408 = arith.constant 0 : i32
          %eq3A_409 = arith.cmpi eq, %jit3A_407, %eq3A_408 : i32
          %jit3A_410 = arith.constant 1 : i32
          %select_n3A_411 = arith.select %eq3A_409, %jit3A_410, %jit3A_407 : i32
          %rem3A_412 = arith.remsi %select_n3A_406, %select_n3A_411 : i32
          %ne3A_413 = arith.constant 0 : i32
          %ne3A_414 = arith.cmpi ne, %rem3A_412, %ne3A_413 : i32
          %lt3A_415 = arith.constant 0 : i32
          %lt3A_416 = arith.cmpi slt, %rem3A_412, %lt3A_415 : i32
          %lt3A_417 = arith.constant 0 : i32
          %lt3A_418 = arith.cmpi slt, %select_n3A_411, %lt3A_417 : i32
          %ne3A_419 = arith.xori %lt3A_416, %lt3A_418 : i1
          %and3A_420 = arith.andi %ne3A_419, %ne3A_414 : i1
          %add3A_421 = arith.addi %rem3A_412, %select_n3A_411 : i32
          %select_n3A_422 = arith.select %and3A_420, %add3A_421, %rem3A_412 : i32
          %jit3A_423 = arith.constant 16 : i32
          %eq3A_424 = arith.constant 0 : i32
          %eq3A_425 = arith.cmpi eq, %jit3A_423, %eq3A_424 : i32
          %jit3A_426 = arith.constant 1 : i32
          %select_n3A_427 = arith.select %eq3A_425, %jit3A_426, %jit3A_423 : i32
          %rem3A_428 = arith.remsi %add3A_382, %select_n3A_427 : i32
          %ne3A_429 = arith.constant 0 : i32
          %ne3A_430 = arith.cmpi ne, %rem3A_428, %ne3A_429 : i32
          %lt3A_431 = arith.constant 0 : i32
          %lt3A_432 = arith.cmpi slt, %rem3A_428, %lt3A_431 : i32
          %lt3A_433 = arith.constant 0 : i32
          %lt3A_434 = arith.cmpi slt, %select_n3A_427, %lt3A_433 : i32
          %ne3A_435 = arith.xori %lt3A_432, %lt3A_434 : i1
          %and3A_436 = arith.andi %ne3A_435, %ne3A_430 : i1
          %add3A_437 = arith.addi %rem3A_428, %select_n3A_427 : i32
          %select_n3A_438 = arith.select %and3A_436, %add3A_437, %rem3A_428 : i32
          %dma_start3A_439 = arith.constant 1 : i32
          %dma_start3A_440 = arith.constant 0 : i32
          %dma_start3A_441 = arith.constant 0 : i32
          %dma_start3A_442 = tpu.memref_slice %arg9[%dma_start3A_439, %dma_start3A_440, %dma_start3A_441] : memref<5x64x128xf32, #tpu.memory_space<vmem>> -> memref<1x64x128xf32, #tpu.memory_space<vmem>>
          %dma_start3A_443 = tpu.memref_squeeze %dma_start3A_442 : memref<1x64x128xf32, #tpu.memory_space<vmem>> -> memref<64x128xf32, #tpu.memory_space<vmem>>
          %dma_start3A_444 = arith.constant 0 : i32
          %dma_start3A_445 = tpu.memref_slice %arg7[%select_n3A_422, %select_n3A_438, %dma_start3A_444] : memref<2x16x64xi32, #tpu.memory_space<vmem>> -> memref<1x1x64xi32, #tpu.memory_space<vmem>>
          %dma_start3A_446 = tpu.memref_squeeze %dma_start3A_445 : memref<1x1x64xi32, #tpu.memory_space<vmem>> -> memref<64xi32, #tpu.memory_space<vmem>>
          %dma_start3A_447 = arith.constant 0 : i32
          %dma_start3A_448 = arith.constant 0 : i32
          %dma_start3A_449 = tpu.memref_slice %arg4[%dma_start3A_447, %dma_start3A_448] : memref<10240x128xf32, #tpu.memory_space<hbm>> -> memref<10240x128xf32, #tpu.memory_space<hbm>>
          tpu.enqueue_indirect_dma source(%dma_start3A_449 : memref<10240x128xf32, #tpu.memory_space<hbm>>) target(%dma_start3A_443 : memref<64x128xf32, #tpu.memory_space<vmem>>) offsets(%dma_start3A_446 : memref<64xi32, #tpu.memory_space<vmem>>) semaphore(%arg12 : memref<!tpu.dma_semaphore, #tpu.memory_space<semaphore_mem>>)
        } else {
        }
        %dma_wait3A_354 = arith.constant 2 : i32
        %dma_wait3A_355 = arith.constant 0 : i32
        %dma_wait3A_356 = arith.constant 0 : i32
        %dma_wait3A_357 = tpu.memref_slice %arg9[%dma_wait3A_354, %dma_wait3A_355, %dma_wait3A_356] : memref<5x64x128xf32, #tpu.memory_space<vmem>> -> memref<1x64x128xf32, #tpu.memory_space<vmem>>
        %dma_wait3A_358 = tpu.memref_squeeze %dma_wait3A_357 : memref<1x64x128xf32, #tpu.memory_space<vmem>> -> memref<64x128xf32, #tpu.memory_space<vmem>>
        %dma_wait3A_359 = arith.constant 0 : i32
        %dma_wait3A_360 = tpu.memref_slice %arg7[%select_n3A_221, %select_n3A_205, %dma_wait3A_359] : memref<2x16x64xi32, #tpu.memory_space<vmem>> -> memref<1x1x64xi32, #tpu.memory_space<vmem>>
        %dma_wait3A_361 = tpu.memref_squeeze %dma_wait3A_360 : memref<1x1x64xi32, #tpu.memory_space<vmem>> -> memref<64xi32, #tpu.memory_space<vmem>>
        %dma_wait3A_362 = arith.constant 0 : i32
        %dma_wait3A_363 = arith.constant 0 : i32
        %dma_wait3A_364 = tpu.memref_slice %arg4[%dma_wait3A_362, %dma_wait3A_363] : memref<10240x128xf32, #tpu.memory_space<hbm>> -> memref<10240x128xf32, #tpu.memory_space<hbm>>
        tpu.wait_indirect_dma semaphore(%arg13 : memref<!tpu.dma_semaphore, #tpu.memory_space<semaphore_mem>>) src(%dma_wait3A_364 : memref<10240x128xf32, #tpu.memory_space<hbm>>) dst(%dma_wait3A_358 : memref<64x128xf32, #tpu.memory_space<vmem>>)
        %dma_start3A_365 = arith.constant 2 : i32
        %dma_start3A_366 = arith.constant 0 : i32
        %dma_start3A_367 = arith.constant 0 : i32
        %dma_start3A_368 = tpu.memref_slice %arg9[%dma_start3A_365, %dma_start3A_366, %dma_start3A_367] : memref<5x64x128xf32, #tpu.memory_space<vmem>> -> memref<1x64x128xf32, #tpu.memory_space<vmem>>
        %dma_start3A_369 = tpu.memref_squeeze %dma_start3A_368 : memref<1x64x128xf32, #tpu.memory_space<vmem>> -> memref<64x128xf32, #tpu.memory_space<vmem>>
        %dma_start3A_370 = arith.constant 0 : i32
        %dma_start3A_371 = tpu.memref_slice %arg8[%select_n3A_221, %select_n3A_205, %dma_start3A_370] : memref<2x16x64xi32, #tpu.memory_space<vmem>> -> memref<1x1x64xi32, #tpu.memory_space<vmem>>
        %dma_start3A_372 = tpu.memref_squeeze %dma_start3A_371 : memref<1x1x64xi32, #tpu.memory_space<vmem>> -> memref<64xi32, #tpu.memory_space<vmem>>
        %dma_start3A_373 = arith.constant 0 : i32
        %dma_start3A_374 = arith.constant 0 : i32
        %dma_start3A_375 = tpu.memref_slice %arg10[%dma_start3A_373, %dma_start3A_374] : memref<10240x128xf32, #tpu.memory_space<vmem_shared>> -> memref<10240x128xf32, #tpu.memory_space<vmem_shared>>
        tpu.enqueue_indirect_dma source(%dma_start3A_369 : memref<64x128xf32, #tpu.memory_space<vmem>>) target(%dma_start3A_375 : memref<10240x128xf32, #tpu.memory_space<vmem_shared>>) offsets(%dma_start3A_372 : memref<64xi32, #tpu.memory_space<vmem>>) semaphore(%arg18 : memref<!tpu.dma_semaphore, #tpu.memory_space<semaphore_mem>>) {add = true}
      } else {
      }
      %jit3A_305 = arith.constant 5 : i32
      %eq3A_306 = arith.constant 0 : i32
      %eq3A_307 = arith.cmpi eq, %jit3A_305, %eq3A_306 : i32
      %jit3A_308 = arith.constant 1 : i32
      %select_n3A_309 = arith.select %eq3A_307, %jit3A_308, %jit3A_305 : i32
      %rem3A_310 = arith.remsi %scan3A_175, %select_n3A_309 : i32
      %ne3A_311 = arith.constant 0 : i32
      %ne3A_312 = arith.cmpi ne, %rem3A_310, %ne3A_311 : i32
      %lt3A_313 = arith.constant 0 : i32
      %lt3A_314 = arith.cmpi slt, %rem3A_310, %lt3A_313 : i32
      %lt3A_315 = arith.constant 0 : i32
      %lt3A_316 = arith.cmpi slt, %select_n3A_309, %lt3A_315 : i32
      %ne3A_317 = arith.xori %lt3A_314, %lt3A_316 : i1
      %and3A_318 = arith.andi %ne3A_317, %ne3A_312 : i1
      %add3A_319 = arith.addi %rem3A_310, %select_n3A_309 : i32
      %select_n3A_320 = arith.select %and3A_318, %add3A_319, %rem3A_310 : i32
      %eq3A_321 = arith.constant 3 : i32
      %eq3A_322 = arith.cmpi eq, %select_n3A_320, %eq3A_321 : i32
      %convert_element_type3A_323 = arith.extui %eq3A_322 : i1 to i32
      %cond3A_324 = arith.constant 0 : i32
      %cond3A_325 = arith.cmpi ne, %convert_element_type3A_323, %cond3A_324 : i32
      scf.if %cond3A_325 {
        %add3A_347 = arith.constant 4 : i32
        %add3A_348 = arith.addi %scan3A_175, %add3A_347 : i32
        %lt3A_349 = arith.constant 160 : i32
        %lt3A_350 = arith.cmpi slt, %add3A_348, %lt3A_349 : i32
        %convert_element_type3A_351 = arith.extui %lt3A_350 : i1 to i32
        %cond3A_352 = arith.constant 0 : i32
        %cond3A_353 = arith.cmpi ne, %convert_element_type3A_351, %cond3A_352 : i32
        scf.if %cond3A_353 {
          %ge3A_376 = arith.constant 1 : i32
          %ge3A_377 = arith.cmpi sge, %scan3A_175, %ge3A_376 : i32
          %convert_element_type3A_378 = arith.extui %ge3A_377 : i1 to i32
          %cond3A_379 = arith.constant 0 : i32
          %cond3A_380 = arith.cmpi ne, %convert_element_type3A_378, %cond3A_379 : i32
          scf.if %cond3A_380 {
            %sub3A_450 = arith.constant 1 : i32
            %sub3A_451 = arith.subi %scan3A_175, %sub3A_450 : i32
            %jit3A_452 = arith.constant 16 : i32
            %div3A_453 = arith.divsi %sub3A_451, %jit3A_452 : i32
            %sign3A_454 = arith.constant 0 : i32
            %sign3A_455 = arith.cmpi sgt, %sub3A_451, %sign3A_454 : i32
            %sign3A_456 = arith.extui %sign3A_455 : i1 to i32
            %sign3A_457 = arith.constant 0 : i32
            %sign3A_458 = arith.cmpi slt, %sub3A_451, %sign3A_457 : i32
            %sign3A_459 = arith.extui %sign3A_458 : i1 to i32
            %sign3A_460 = arith.subi %sign3A_456, %sign3A_459 : i32
            %sign3A_461 = arith.constant 0 : i32
            %sign3A_462 = arith.cmpi sgt, %jit3A_452, %sign3A_461 : i32
            %sign3A_463 = arith.extui %sign3A_462 : i1 to i32
            %sign3A_464 = arith.constant 0 : i32
            %sign3A_465 = arith.cmpi slt, %jit3A_452, %sign3A_464 : i32
            %sign3A_466 = arith.extui %sign3A_465 : i1 to i32
            %sign3A_467 = arith.subi %sign3A_463, %sign3A_466 : i32
            %ne3A_468 = arith.cmpi ne, %sign3A_460, %sign3A_467 : i32
            %rem3A_469 = arith.remsi %sub3A_451, %jit3A_452 : i32
            %ne3A_470 = arith.constant 0 : i32
            %ne3A_471 = arith.cmpi ne, %rem3A_469, %ne3A_470 : i32
            %and3A_472 = arith.andi %ne3A_468, %ne3A_471 : i1
            %sub3A_473 = arith.constant 1 : i32
            %sub3A_474 = arith.subi %div3A_453, %sub3A_473 : i32
            %select_n3A_475 = arith.select %and3A_472, %sub3A_474, %div3A_453 : i32
            %jit3A_476 = arith.constant 2 : i32
            %eq3A_477 = arith.constant 0 : i32
            %eq3A_478 = arith.cmpi eq, %jit3A_476, %eq3A_477 : i32
            %jit3A_479 = arith.constant 1 : i32
            %select_n3A_480 = arith.select %eq3A_478, %jit3A_479, %jit3A_476 : i32
            %rem3A_481 = arith.remsi %select_n3A_475, %select_n3A_480 : i32
            %ne3A_482 = arith.constant 0 : i32
            %ne3A_483 = arith.cmpi ne, %rem3A_481, %ne3A_482 : i32
            %lt3A_484 = arith.constant 0 : i32
            %lt3A_485 = arith.cmpi slt, %rem3A_481, %lt3A_484 : i32
            %lt3A_486 = arith.constant 0 : i32
            %lt3A_487 = arith.cmpi slt, %select_n3A_480, %lt3A_486 : i32
            %ne3A_488 = arith.xori %lt3A_485, %lt3A_487 : i1
            %and3A_489 = arith.andi %ne3A_488, %ne3A_483 : i1
            %add3A_490 = arith.addi %rem3A_481, %select_n3A_480 : i32
            %select_n3A_491 = arith.select %and3A_489, %add3A_490, %rem3A_481 : i32
            %jit3A_492 = arith.constant 16 : i32
            %eq3A_493 = arith.constant 0 : i32
            %eq3A_494 = arith.cmpi eq, %jit3A_492, %eq3A_493 : i32
            %jit3A_495 = arith.constant 1 : i32
            %select_n3A_496 = arith.select %eq3A_494, %jit3A_495, %jit3A_492 : i32
            %rem3A_497 = arith.remsi %sub3A_451, %select_n3A_496 : i32
            %ne3A_498 = arith.constant 0 : i32
            %ne3A_499 = arith.cmpi ne, %rem3A_497, %ne3A_498 : i32
            %lt3A_500 = arith.constant 0 : i32
            %lt3A_501 = arith.cmpi slt, %rem3A_497, %lt3A_500 : i32
            %lt3A_502 = arith.constant 0 : i32
            %lt3A_503 = arith.cmpi slt, %select_n3A_496, %lt3A_502 : i32
            %ne3A_504 = arith.xori %lt3A_501, %lt3A_503 : i1
            %and3A_505 = arith.andi %ne3A_504, %ne3A_499 : i1
            %add3A_506 = arith.addi %rem3A_497, %select_n3A_496 : i32
            %select_n3A_507 = arith.select %and3A_505, %add3A_506, %rem3A_497 : i32
            %dma_wait3A_508 = arith.constant 2 : i32
            %dma_wait3A_509 = arith.constant 0 : i32
            %dma_wait3A_510 = arith.constant 0 : i32
            %dma_wait3A_511 = tpu.memref_slice %arg9[%dma_wait3A_508, %dma_wait3A_509, %dma_wait3A_510] : memref<5x64x128xf32, #tpu.memory_space<vmem>> -> memref<1x64x128xf32, #tpu.memory_space<vmem>>
            %dma_wait3A_512 = tpu.memref_squeeze %dma_wait3A_511 : memref<1x64x128xf32, #tpu.memory_space<vmem>> -> memref<64x128xf32, #tpu.memory_space<vmem>>
            %dma_wait3A_513 = arith.constant 0 : i32
            %dma_wait3A_514 = tpu.memref_slice %arg8[%select_n3A_491, %select_n3A_507, %dma_wait3A_513] : memref<2x16x64xi32, #tpu.memory_space<vmem>> -> memref<1x1x64xi32, #tpu.memory_space<vmem>>
            %dma_wait3A_515 = tpu.memref_squeeze %dma_wait3A_514 : memref<1x1x64xi32, #tpu.memory_space<vmem>> -> memref<64xi32, #tpu.memory_space<vmem>>
            %dma_wait3A_516 = arith.constant 0 : i32
            %dma_wait3A_517 = arith.constant 0 : i32
            %dma_wait3A_518 = tpu.memref_slice %arg10[%dma_wait3A_516, %dma_wait3A_517] : memref<10240x128xf32, #tpu.memory_space<vmem_shared>> -> memref<10240x128xf32, #tpu.memory_space<vmem_shared>>
            tpu.wait_indirect_dma semaphore(%arg18 : memref<!tpu.dma_semaphore, #tpu.memory_space<semaphore_mem>>) src(%dma_wait3A_512 : memref<64x128xf32, #tpu.memory_space<vmem>>) dst(%dma_wait3A_518 : memref<10240x128xf32, #tpu.memory_space<vmem_shared>>)
          } else {
          }
          %add3A_381 = arith.constant 4 : i32
          %add3A_382 = arith.addi %scan3A_175, %add3A_381 : i32
          %jit3A_383 = arith.constant 16 : i32
          %div3A_384 = arith.divsi %add3A_382, %jit3A_383 : i32
          %sign3A_385 = arith.constant 0 : i32
          %sign3A_386 = arith.cmpi sgt, %add3A_382, %sign3A_385 : i32
          %sign3A_387 = arith.extui %sign3A_386 : i1 to i32
          %sign3A_388 = arith.constant 0 : i32
          %sign3A_389 = arith.cmpi slt, %add3A_382, %sign3A_388 : i32
          %sign3A_390 = arith.extui %sign3A_389 : i1 to i32
          %sign3A_391 = arith.subi %sign3A_387, %sign3A_390 : i32
          %sign3A_392 = arith.constant 0 : i32
          %sign3A_393 = arith.cmpi sgt, %jit3A_383, %sign3A_392 : i32
          %sign3A_394 = arith.extui %sign3A_393 : i1 to i32
          %sign3A_395 = arith.constant 0 : i32
          %sign3A_396 = arith.cmpi slt, %jit3A_383, %sign3A_395 : i32
          %sign3A_397 = arith.extui %sign3A_396 : i1 to i32
          %sign3A_398 = arith.subi %sign3A_394, %sign3A_397 : i32
          %ne3A_399 = arith.cmpi ne, %sign3A_391, %sign3A_398 : i32
          %rem3A_400 = arith.remsi %add3A_382, %jit3A_383 : i32
          %ne3A_401 = arith.constant 0 : i32
          %ne3A_402 = arith.cmpi ne, %rem3A_400, %ne3A_401 : i32
          %and3A_403 = arith.andi %ne3A_399, %ne3A_402 : i1
          %sub3A_404 = arith.constant 1 : i32
          %sub3A_405 = arith.subi %div3A_384, %sub3A_404 : i32
          %select_n3A_406 = arith.select %and3A_403, %sub3A_405, %div3A_384 : i32
          %jit3A_407 = arith.constant 2 : i32
          %eq3A_408 = arith.constant 0 : i32
          %eq3A_409 = arith.cmpi eq, %jit3A_407, %eq3A_408 : i32
          %jit3A_410 = arith.constant 1 : i32
          %select_n3A_411 = arith.select %eq3A_409, %jit3A_410, %jit3A_407 : i32
          %rem3A_412 = arith.remsi %select_n3A_406, %select_n3A_411 : i32
          %ne3A_413 = arith.constant 0 : i32
          %ne3A_414 = arith.cmpi ne, %rem3A_412, %ne3A_413 : i32
          %lt3A_415 = arith.constant 0 : i32
          %lt3A_416 = arith.cmpi slt, %rem3A_412, %lt3A_415 : i32
          %lt3A_417 = arith.constant 0 : i32
          %lt3A_418 = arith.cmpi slt, %select_n3A_411, %lt3A_417 : i32
          %ne3A_419 = arith.xori %lt3A_416, %lt3A_418 : i1
          %and3A_420 = arith.andi %ne3A_419, %ne3A_414 : i1
          %add3A_421 = arith.addi %rem3A_412, %select_n3A_411 : i32
          %select_n3A_422 = arith.select %and3A_420, %add3A_421, %rem3A_412 : i32
          %jit3A_423 = arith.constant 16 : i32
          %eq3A_424 = arith.constant 0 : i32
          %eq3A_425 = arith.cmpi eq, %jit3A_423, %eq3A_424 : i32
          %jit3A_426 = arith.constant 1 : i32
          %select_n3A_427 = arith.select %eq3A_425, %jit3A_426, %jit3A_423 : i32
          %rem3A_428 = arith.remsi %add3A_382, %select_n3A_427 : i32
          %ne3A_429 = arith.constant 0 : i32
          %ne3A_430 = arith.cmpi ne, %rem3A_428, %ne3A_429 : i32
          %lt3A_431 = arith.constant 0 : i32
          %lt3A_432 = arith.cmpi slt, %rem3A_428, %lt3A_431 : i32
          %lt3A_433 = arith.constant 0 : i32
          %lt3A_434 = arith.cmpi slt, %select_n3A_427, %lt3A_433 : i32
          %ne3A_435 = arith.xori %lt3A_432, %lt3A_434 : i1
          %and3A_436 = arith.andi %ne3A_435, %ne3A_430 : i1
          %add3A_437 = arith.addi %rem3A_428, %select_n3A_427 : i32
          %select_n3A_438 = arith.select %and3A_436, %add3A_437, %rem3A_428 : i32
          %dma_start3A_439 = arith.constant 2 : i32
          %dma_start3A_440 = arith.constant 0 : i32
          %dma_start3A_441 = arith.constant 0 : i32
          %dma_start3A_442 = tpu.memref_slice %arg9[%dma_start3A_439, %dma_start3A_440, %dma_start3A_441] : memref<5x64x128xf32, #tpu.memory_space<vmem>> -> memref<1x64x128xf32, #tpu.memory_space<vmem>>
          %dma_start3A_443 = tpu.memref_squeeze %dma_start3A_442 : memref<1x64x128xf32, #tpu.memory_space<vmem>> -> memref<64x128xf32, #tpu.memory_space<vmem>>
          %dma_start3A_444 = arith.constant 0 : i32
          %dma_start3A_445 = tpu.memref_slice %arg7[%select_n3A_422, %select_n3A_438, %dma_start3A_444] : memref<2x16x64xi32, #tpu.memory_space<vmem>> -> memref<1x1x64xi32, #tpu.memory_space<vmem>>
          %dma_start3A_446 = tpu.memref_squeeze %dma_start3A_445 : memref<1x1x64xi32, #tpu.memory_space<vmem>> -> memref<64xi32, #tpu.memory_space<vmem>>
          %dma_start3A_447 = arith.constant 0 : i32
          %dma_start3A_448 = arith.constant 0 : i32
          %dma_start3A_449 = tpu.memref_slice %arg4[%dma_start3A_447, %dma_start3A_448] : memref<10240x128xf32, #tpu.memory_space<hbm>> -> memref<10240x128xf32, #tpu.memory_space<hbm>>
          tpu.enqueue_indirect_dma source(%dma_start3A_449 : memref<10240x128xf32, #tpu.memory_space<hbm>>) target(%dma_start3A_443 : memref<64x128xf32, #tpu.memory_space<vmem>>) offsets(%dma_start3A_446 : memref<64xi32, #tpu.memory_space<vmem>>) semaphore(%arg13 : memref<!tpu.dma_semaphore, #tpu.memory_space<semaphore_mem>>)
        } else {
        }
        %dma_wait3A_354 = arith.constant 3 : i32
        %dma_wait3A_355 = arith.constant 0 : i32
        %dma_wait3A_356 = arith.constant 0 : i32
        %dma_wait3A_357 = tpu.memref_slice %arg9[%dma_wait3A_354, %dma_wait3A_355, %dma_wait3A_356] : memref<5x64x128xf32, #tpu.memory_space<vmem>> -> memref<1x64x128xf32, #tpu.memory_space<vmem>>
        %dma_wait3A_358 = tpu.memref_squeeze %dma_wait3A_357 : memref<1x64x128xf32, #tpu.memory_space<vmem>> -> memref<64x128xf32, #tpu.memory_space<vmem>>
        %dma_wait3A_359 = arith.constant 0 : i32
        %dma_wait3A_360 = tpu.memref_slice %arg7[%select_n3A_221, %select_n3A_205, %dma_wait3A_359] : memref<2x16x64xi32, #tpu.memory_space<vmem>> -> memref<1x1x64xi32, #tpu.memory_space<vmem>>
        %dma_wait3A_361 = tpu.memref_squeeze %dma_wait3A_360 : memref<1x1x64xi32, #tpu.memory_space<vmem>> -> memref<64xi32, #tpu.memory_space<vmem>>
        %dma_wait3A_362 = arith.constant 0 : i32
        %dma_wait3A_363 = arith.constant 0 : i32
        %dma_wait3A_364 = tpu.memref_slice %arg4[%dma_wait3A_362, %dma_wait3A_363] : memref<10240x128xf32, #tpu.memory_space<hbm>> -> memref<10240x128xf32, #tpu.memory_space<hbm>>
        tpu.wait_indirect_dma semaphore(%arg14 : memref<!tpu.dma_semaphore, #tpu.memory_space<semaphore_mem>>) src(%dma_wait3A_364 : memref<10240x128xf32, #tpu.memory_space<hbm>>) dst(%dma_wait3A_358 : memref<64x128xf32, #tpu.memory_space<vmem>>)
        %dma_start3A_365 = arith.constant 3 : i32
        %dma_start3A_366 = arith.constant 0 : i32
        %dma_start3A_367 = arith.constant 0 : i32
        %dma_start3A_368 = tpu.memref_slice %arg9[%dma_start3A_365, %dma_start3A_366, %dma_start3A_367] : memref<5x64x128xf32, #tpu.memory_space<vmem>> -> memref<1x64x128xf32, #tpu.memory_space<vmem>>
        %dma_start3A_369 = tpu.memref_squeeze %dma_start3A_368 : memref<1x64x128xf32, #tpu.memory_space<vmem>> -> memref<64x128xf32, #tpu.memory_space<vmem>>
        %dma_start3A_370 = arith.constant 0 : i32
        %dma_start3A_371 = tpu.memref_slice %arg8[%select_n3A_221, %select_n3A_205, %dma_start3A_370] : memref<2x16x64xi32, #tpu.memory_space<vmem>> -> memref<1x1x64xi32, #tpu.memory_space<vmem>>
        %dma_start3A_372 = tpu.memref_squeeze %dma_start3A_371 : memref<1x1x64xi32, #tpu.memory_space<vmem>> -> memref<64xi32, #tpu.memory_space<vmem>>
        %dma_start3A_373 = arith.constant 0 : i32
        %dma_start3A_374 = arith.constant 0 : i32
        %dma_start3A_375 = tpu.memref_slice %arg10[%dma_start3A_373, %dma_start3A_374] : memref<10240x128xf32, #tpu.memory_space<vmem_shared>> -> memref<10240x128xf32, #tpu.memory_space<vmem_shared>>
        tpu.enqueue_indirect_dma source(%dma_start3A_369 : memref<64x128xf32, #tpu.memory_space<vmem>>) target(%dma_start3A_375 : memref<10240x128xf32, #tpu.memory_space<vmem_shared>>) offsets(%dma_start3A_372 : memref<64xi32, #tpu.memory_space<vmem>>) semaphore(%arg19 : memref<!tpu.dma_semaphore, #tpu.memory_space<semaphore_mem>>) {add = true}
      } else {
      }
      %jit3A_326 = arith.constant 5 : i32
      %eq3A_327 = arith.constant 0 : i32
      %eq3A_328 = arith.cmpi eq, %jit3A_326, %eq3A_327 : i32
      %jit3A_329 = arith.constant 1 : i32
      %select_n3A_330 = arith.select %eq3A_328, %jit3A_329, %jit3A_326 : i32
      %rem3A_331 = arith.remsi %scan3A_175, %select_n3A_330 : i32
      %ne3A_332 = arith.constant 0 : i32
      %ne3A_333 = arith.cmpi ne, %rem3A_331, %ne3A_332 : i32
      %lt3A_334 = arith.constant 0 : i32
      %lt3A_335 = arith.cmpi slt, %rem3A_331, %lt3A_334 : i32
      %lt3A_336 = arith.constant 0 : i32
      %lt3A_337 = arith.cmpi slt, %select_n3A_330, %lt3A_336 : i32
      %ne3A_338 = arith.xori %lt3A_335, %lt3A_337 : i1
      %and3A_339 = arith.andi %ne3A_338, %ne3A_333 : i1
      %add3A_340 = arith.addi %rem3A_331, %select_n3A_330 : i32
      %select_n3A_341 = arith.select %and3A_339, %add3A_340, %rem3A_331 : i32
      %eq3A_342 = arith.constant 4 : i32
      %eq3A_343 = arith.cmpi eq, %select_n3A_341, %eq3A_342 : i32
      %convert_element_type3A_344 = arith.extui %eq3A_343 : i1 to i32
      %cond3A_345 = arith.constant 0 : i32
      %cond3A_346 = arith.cmpi ne, %convert_element_type3A_344, %cond3A_345 : i32
      scf.if %cond3A_346 {
        %add3A_347 = arith.constant 4 : i32
        %add3A_348 = arith.addi %scan3A_175, %add3A_347 : i32
        %lt3A_349 = arith.constant 160 : i32
        %lt3A_350 = arith.cmpi slt, %add3A_348, %lt3A_349 : i32
        %convert_element_type3A_351 = arith.extui %lt3A_350 : i1 to i32
        %cond3A_352 = arith.constant 0 : i32
        %cond3A_353 = arith.cmpi ne, %convert_element_type3A_351, %cond3A_352 : i32
        scf.if %cond3A_353 {
          %ge3A_376 = arith.constant 1 : i32
          %ge3A_377 = arith.cmpi sge, %scan3A_175, %ge3A_376 : i32
          %convert_element_type3A_378 = arith.extui %ge3A_377 : i1 to i32
          %cond3A_379 = arith.constant 0 : i32
          %cond3A_380 = arith.cmpi ne, %convert_element_type3A_378, %cond3A_379 : i32
          scf.if %cond3A_380 {
            %sub3A_450 = arith.constant 1 : i32
            %sub3A_451 = arith.subi %scan3A_175, %sub3A_450 : i32
            %jit3A_452 = arith.constant 16 : i32
            %div3A_453 = arith.divsi %sub3A_451, %jit3A_452 : i32
            %sign3A_454 = arith.constant 0 : i32
            %sign3A_455 = arith.cmpi sgt, %sub3A_451, %sign3A_454 : i32
            %sign3A_456 = arith.extui %sign3A_455 : i1 to i32
            %sign3A_457 = arith.constant 0 : i32
            %sign3A_458 = arith.cmpi slt, %sub3A_451, %sign3A_457 : i32
            %sign3A_459 = arith.extui %sign3A_458 : i1 to i32
            %sign3A_460 = arith.subi %sign3A_456, %sign3A_459 : i32
            %sign3A_461 = arith.constant 0 : i32
            %sign3A_462 = arith.cmpi sgt, %jit3A_452, %sign3A_461 : i32
            %sign3A_463 = arith.extui %sign3A_462 : i1 to i32
            %sign3A_464 = arith.constant 0 : i32
            %sign3A_465 = arith.cmpi slt, %jit3A_452, %sign3A_464 : i32
            %sign3A_466 = arith.extui %sign3A_465 : i1 to i32
            %sign3A_467 = arith.subi %sign3A_463, %sign3A_466 : i32
            %ne3A_468 = arith.cmpi ne, %sign3A_460, %sign3A_467 : i32
            %rem3A_469 = arith.remsi %sub3A_451, %jit3A_452 : i32
            %ne3A_470 = arith.constant 0 : i32
            %ne3A_471 = arith.cmpi ne, %rem3A_469, %ne3A_470 : i32
            %and3A_472 = arith.andi %ne3A_468, %ne3A_471 : i1
            %sub3A_473 = arith.constant 1 : i32
            %sub3A_474 = arith.subi %div3A_453, %sub3A_473 : i32
            %select_n3A_475 = arith.select %and3A_472, %sub3A_474, %div3A_453 : i32
            %jit3A_476 = arith.constant 2 : i32
            %eq3A_477 = arith.constant 0 : i32
            %eq3A_478 = arith.cmpi eq, %jit3A_476, %eq3A_477 : i32
            %jit3A_479 = arith.constant 1 : i32
            %select_n3A_480 = arith.select %eq3A_478, %jit3A_479, %jit3A_476 : i32
            %rem3A_481 = arith.remsi %select_n3A_475, %select_n3A_480 : i32
            %ne3A_482 = arith.constant 0 : i32
            %ne3A_483 = arith.cmpi ne, %rem3A_481, %ne3A_482 : i32
            %lt3A_484 = arith.constant 0 : i32
            %lt3A_485 = arith.cmpi slt, %rem3A_481, %lt3A_484 : i32
            %lt3A_486 = arith.constant 0 : i32
            %lt3A_487 = arith.cmpi slt, %select_n3A_480, %lt3A_486 : i32
            %ne3A_488 = arith.xori %lt3A_485, %lt3A_487 : i1
            %and3A_489 = arith.andi %ne3A_488, %ne3A_483 : i1
            %add3A_490 = arith.addi %rem3A_481, %select_n3A_480 : i32
            %select_n3A_491 = arith.select %and3A_489, %add3A_490, %rem3A_481 : i32
            %jit3A_492 = arith.constant 16 : i32
            %eq3A_493 = arith.constant 0 : i32
            %eq3A_494 = arith.cmpi eq, %jit3A_492, %eq3A_493 : i32
            %jit3A_495 = arith.constant 1 : i32
            %select_n3A_496 = arith.select %eq3A_494, %jit3A_495, %jit3A_492 : i32
            %rem3A_497 = arith.remsi %sub3A_451, %select_n3A_496 : i32
            %ne3A_498 = arith.constant 0 : i32
            %ne3A_499 = arith.cmpi ne, %rem3A_497, %ne3A_498 : i32
            %lt3A_500 = arith.constant 0 : i32
            %lt3A_501 = arith.cmpi slt, %rem3A_497, %lt3A_500 : i32
            %lt3A_502 = arith.constant 0 : i32
            %lt3A_503 = arith.cmpi slt, %select_n3A_496, %lt3A_502 : i32
            %ne3A_504 = arith.xori %lt3A_501, %lt3A_503 : i1
            %and3A_505 = arith.andi %ne3A_504, %ne3A_499 : i1
            %add3A_506 = arith.addi %rem3A_497, %select_n3A_496 : i32
            %select_n3A_507 = arith.select %and3A_505, %add3A_506, %rem3A_497 : i32
            %dma_wait3A_508 = arith.constant 3 : i32
            %dma_wait3A_509 = arith.constant 0 : i32
            %dma_wait3A_510 = arith.constant 0 : i32
            %dma_wait3A_511 = tpu.memref_slice %arg9[%dma_wait3A_508, %dma_wait3A_509, %dma_wait3A_510] : memref<5x64x128xf32, #tpu.memory_space<vmem>> -> memref<1x64x128xf32, #tpu.memory_space<vmem>>
            %dma_wait3A_512 = tpu.memref_squeeze %dma_wait3A_511 : memref<1x64x128xf32, #tpu.memory_space<vmem>> -> memref<64x128xf32, #tpu.memory_space<vmem>>
            %dma_wait3A_513 = arith.constant 0 : i32
            %dma_wait3A_514 = tpu.memref_slice %arg8[%select_n3A_491, %select_n3A_507, %dma_wait3A_513] : memref<2x16x64xi32, #tpu.memory_space<vmem>> -> memref<1x1x64xi32, #tpu.memory_space<vmem>>
            %dma_wait3A_515 = tpu.memref_squeeze %dma_wait3A_514 : memref<1x1x64xi32, #tpu.memory_space<vmem>> -> memref<64xi32, #tpu.memory_space<vmem>>
            %dma_wait3A_516 = arith.constant 0 : i32
            %dma_wait3A_517 = arith.constant 0 : i32
            %dma_wait3A_518 = tpu.memref_slice %arg10[%dma_wait3A_516, %dma_wait3A_517] : memref<10240x128xf32, #tpu.memory_space<vmem_shared>> -> memref<10240x128xf32, #tpu.memory_space<vmem_shared>>
            tpu.wait_indirect_dma semaphore(%arg19 : memref<!tpu.dma_semaphore, #tpu.memory_space<semaphore_mem>>) src(%dma_wait3A_512 : memref<64x128xf32, #tpu.memory_space<vmem>>) dst(%dma_wait3A_518 : memref<10240x128xf32, #tpu.memory_space<vmem_shared>>)
          } else {
          }
          %add3A_381 = arith.constant 4 : i32
          %add3A_382 = arith.addi %scan3A_175, %add3A_381 : i32
          %jit3A_383 = arith.constant 16 : i32
          %div3A_384 = arith.divsi %add3A_382, %jit3A_383 : i32
          %sign3A_385 = arith.constant 0 : i32
          %sign3A_386 = arith.cmpi sgt, %add3A_382, %sign3A_385 : i32
          %sign3A_387 = arith.extui %sign3A_386 : i1 to i32
          %sign3A_388 = arith.constant 0 : i32
          %sign3A_389 = arith.cmpi slt, %add3A_382, %sign3A_388 : i32
          %sign3A_390 = arith.extui %sign3A_389 : i1 to i32
          %sign3A_391 = arith.subi %sign3A_387, %sign3A_390 : i32
          %sign3A_392 = arith.constant 0 : i32
          %sign3A_393 = arith.cmpi sgt, %jit3A_383, %sign3A_392 : i32
          %sign3A_394 = arith.extui %sign3A_393 : i1 to i32
          %sign3A_395 = arith.constant 0 : i32
          %sign3A_396 = arith.cmpi slt, %jit3A_383, %sign3A_395 : i32
          %sign3A_397 = arith.extui %sign3A_396 : i1 to i32
          %sign3A_398 = arith.subi %sign3A_394, %sign3A_397 : i32
          %ne3A_399 = arith.cmpi ne, %sign3A_391, %sign3A_398 : i32
          %rem3A_400 = arith.remsi %add3A_382, %jit3A_383 : i32
          %ne3A_401 = arith.constant 0 : i32
          %ne3A_402 = arith.cmpi ne, %rem3A_400, %ne3A_401 : i32
          %and3A_403 = arith.andi %ne3A_399, %ne3A_402 : i1
          %sub3A_404 = arith.constant 1 : i32
          %sub3A_405 = arith.subi %div3A_384, %sub3A_404 : i32
          %select_n3A_406 = arith.select %and3A_403, %sub3A_405, %div3A_384 : i32
          %jit3A_407 = arith.constant 2 : i32
          %eq3A_408 = arith.constant 0 : i32
          %eq3A_409 = arith.cmpi eq, %jit3A_407, %eq3A_408 : i32
          %jit3A_410 = arith.constant 1 : i32
          %select_n3A_411 = arith.select %eq3A_409, %jit3A_410, %jit3A_407 : i32
          %rem3A_412 = arith.remsi %select_n3A_406, %select_n3A_411 : i32
          %ne3A_413 = arith.constant 0 : i32
          %ne3A_414 = arith.cmpi ne, %rem3A_412, %ne3A_413 : i32
          %lt3A_415 = arith.constant 0 : i32
          %lt3A_416 = arith.cmpi slt, %rem3A_412, %lt3A_415 : i32
          %lt3A_417 = arith.constant 0 : i32
          %lt3A_418 = arith.cmpi slt, %select_n3A_411, %lt3A_417 : i32
          %ne3A_419 = arith.xori %lt3A_416, %lt3A_418 : i1
          %and3A_420 = arith.andi %ne3A_419, %ne3A_414 : i1
          %add3A_421 = arith.addi %rem3A_412, %select_n3A_411 : i32
          %select_n3A_422 = arith.select %and3A_420, %add3A_421, %rem3A_412 : i32
          %jit3A_423 = arith.constant 16 : i32
          %eq3A_424 = arith.constant 0 : i32
          %eq3A_425 = arith.cmpi eq, %jit3A_423, %eq3A_424 : i32
          %jit3A_426 = arith.constant 1 : i32
          %select_n3A_427 = arith.select %eq3A_425, %jit3A_426, %jit3A_423 : i32
          %rem3A_428 = arith.remsi %add3A_382, %select_n3A_427 : i32
          %ne3A_429 = arith.constant 0 : i32
          %ne3A_430 = arith.cmpi ne, %rem3A_428, %ne3A_429 : i32
          %lt3A_431 = arith.constant 0 : i32
          %lt3A_432 = arith.cmpi slt, %rem3A_428, %lt3A_431 : i32
          %lt3A_433 = arith.constant 0 : i32
          %lt3A_434 = arith.cmpi slt, %select_n3A_427, %lt3A_433 : i32
          %ne3A_435 = arith.xori %lt3A_432, %lt3A_434 : i1
          %and3A_436 = arith.andi %ne3A_435, %ne3A_430 : i1
          %add3A_437 = arith.addi %rem3A_428, %select_n3A_427 : i32
          %select_n3A_438 = arith.select %and3A_436, %add3A_437, %rem3A_428 : i32
          %dma_start3A_439 = arith.constant 3 : i32
          %dma_start3A_440 = arith.constant 0 : i32
          %dma_start3A_441 = arith.constant 0 : i32
          %dma_start3A_442 = tpu.memref_slice %arg9[%dma_start3A_439, %dma_start3A_440, %dma_start3A_441] : memref<5x64x128xf32, #tpu.memory_space<vmem>> -> memref<1x64x128xf32, #tpu.memory_space<vmem>>
          %dma_start3A_443 = tpu.memref_squeeze %dma_start3A_442 : memref<1x64x128xf32, #tpu.memory_space<vmem>> -> memref<64x128xf32, #tpu.memory_space<vmem>>
          %dma_start3A_444 = arith.constant 0 : i32
          %dma_start3A_445 = tpu.memref_slice %arg7[%select_n3A_422, %select_n3A_438, %dma_start3A_444] : memref<2x16x64xi32, #tpu.memory_space<vmem>> -> memref<1x1x64xi32, #tpu.memory_space<vmem>>
          %dma_start3A_446 = tpu.memref_squeeze %dma_start3A_445 : memref<1x1x64xi32, #tpu.memory_space<vmem>> -> memref<64xi32, #tpu.memory_space<vmem>>
          %dma_start3A_447 = arith.constant 0 : i32
          %dma_start3A_448 = arith.constant 0 : i32
          %dma_start3A_449 = tpu.memref_slice %arg4[%dma_start3A_447, %dma_start3A_448] : memref<10240x128xf32, #tpu.memory_space<hbm>> -> memref<10240x128xf32, #tpu.memory_space<hbm>>
          tpu.enqueue_indirect_dma source(%dma_start3A_449 : memref<10240x128xf32, #tpu.memory_space<hbm>>) target(%dma_start3A_443 : memref<64x128xf32, #tpu.memory_space<vmem>>) offsets(%dma_start3A_446 : memref<64xi32, #tpu.memory_space<vmem>>) semaphore(%arg14 : memref<!tpu.dma_semaphore, #tpu.memory_space<semaphore_mem>>)
        } else {
        }
        %dma_wait3A_354 = arith.constant 4 : i32
        %dma_wait3A_355 = arith.constant 0 : i32
        %dma_wait3A_356 = arith.constant 0 : i32
        %dma_wait3A_357 = tpu.memref_slice %arg9[%dma_wait3A_354, %dma_wait3A_355, %dma_wait3A_356] : memref<5x64x128xf32, #tpu.memory_space<vmem>> -> memref<1x64x128xf32, #tpu.memory_space<vmem>>
        %dma_wait3A_358 = tpu.memref_squeeze %dma_wait3A_357 : memref<1x64x128xf32, #tpu.memory_space<vmem>> -> memref<64x128xf32, #tpu.memory_space<vmem>>
        %dma_wait3A_359 = arith.constant 0 : i32
        %dma_wait3A_360 = tpu.memref_slice %arg7[%select_n3A_221, %select_n3A_205, %dma_wait3A_359] : memref<2x16x64xi32, #tpu.memory_space<vmem>> -> memref<1x1x64xi32, #tpu.memory_space<vmem>>
        %dma_wait3A_361 = tpu.memref_squeeze %dma_wait3A_360 : memref<1x1x64xi32, #tpu.memory_space<vmem>> -> memref<64xi32, #tpu.memory_space<vmem>>
        %dma_wait3A_362 = arith.constant 0 : i32
        %dma_wait3A_363 = arith.constant 0 : i32
        %dma_wait3A_364 = tpu.memref_slice %arg4[%dma_wait3A_362, %dma_wait3A_363] : memref<10240x128xf32, #tpu.memory_space<hbm>> -> memref<10240x128xf32, #tpu.memory_space<hbm>>
        tpu.wait_indirect_dma semaphore(%arg15 : memref<!tpu.dma_semaphore, #tpu.memory_space<semaphore_mem>>) src(%dma_wait3A_364 : memref<10240x128xf32, #tpu.memory_space<hbm>>) dst(%dma_wait3A_358 : memref<64x128xf32, #tpu.memory_space<vmem>>)
        %dma_start3A_365 = arith.constant 4 : i32
        %dma_start3A_366 = arith.constant 0 : i32
        %dma_start3A_367 = arith.constant 0 : i32
        %dma_start3A_368 = tpu.memref_slice %arg9[%dma_start3A_365, %dma_start3A_366, %dma_start3A_367] : memref<5x64x128xf32, #tpu.memory_space<vmem>> -> memref<1x64x128xf32, #tpu.memory_space<vmem>>
        %dma_start3A_369 = tpu.memref_squeeze %dma_start3A_368 : memref<1x64x128xf32, #tpu.memory_space<vmem>> -> memref<64x128xf32, #tpu.memory_space<vmem>>
        %dma_start3A_370 = arith.constant 0 : i32
        %dma_start3A_371 = tpu.memref_slice %arg8[%select_n3A_221, %select_n3A_205, %dma_start3A_370] : memref<2x16x64xi32, #tpu.memory_space<vmem>> -> memref<1x1x64xi32, #tpu.memory_space<vmem>>
        %dma_start3A_372 = tpu.memref_squeeze %dma_start3A_371 : memref<1x1x64xi32, #tpu.memory_space<vmem>> -> memref<64xi32, #tpu.memory_space<vmem>>
        %dma_start3A_373 = arith.constant 0 : i32
        %dma_start3A_374 = arith.constant 0 : i32
        %dma_start3A_375 = tpu.memref_slice %arg10[%dma_start3A_373, %dma_start3A_374] : memref<10240x128xf32, #tpu.memory_space<vmem_shared>> -> memref<10240x128xf32, #tpu.memory_space<vmem_shared>>
        tpu.enqueue_indirect_dma source(%dma_start3A_369 : memref<64x128xf32, #tpu.memory_space<vmem>>) target(%dma_start3A_375 : memref<10240x128xf32, #tpu.memory_space<vmem_shared>>) offsets(%dma_start3A_372 : memref<64xi32, #tpu.memory_space<vmem>>) semaphore(%arg20 : memref<!tpu.dma_semaphore, #tpu.memory_space<semaphore_mem>>) {add = true}
      } else {
      }
    }
    %scan3A_105 = arith.constant 160 : i32
    %dma_wait3A = arith.constant 0 : i32
    %dma_wait3A_106 = arith.constant 1 : i32
    %dma_wait3A_107 = arith.constant 11 : i32
    %dma_wait3A_108 = arith.constant 0 : i32
    %dma_wait3A_109 = arith.constant 0 : i32
    %dma_wait3A_110 = tpu.memref_slice %arg9[%dma_wait3A, %dma_wait3A_108, %dma_wait3A_109] : memref<5x64x128xf32, #tpu.memory_space<vmem>> -> memref<1x64x128xf32, #tpu.memory_space<vmem>>
    %dma_wait3A_111 = tpu.memref_squeeze %dma_wait3A_110 : memref<1x64x128xf32, #tpu.memory_space<vmem>> -> memref<64x128xf32, #tpu.memory_space<vmem>>
    %dma_wait3A_112 = arith.constant 0 : i32
    %dma_wait3A_113 = tpu.memref_slice %arg8[%dma_wait3A_106, %dma_wait3A_107, %dma_wait3A_112] : memref<2x16x64xi32, #tpu.memory_space<vmem>> -> memref<1x1x64xi32, #tpu.memory_space<vmem>>
    %dma_wait3A_114 = tpu.memref_squeeze %dma_wait3A_113 : memref<1x1x64xi32, #tpu.memory_space<vmem>> -> memref<64xi32, #tpu.memory_space<vmem>>
    %dma_wait3A_115 = arith.constant 0 : i32
    %dma_wait3A_116 = arith.constant 0 : i32
    %dma_wait3A_117 = tpu.memref_slice %arg10[%dma_wait3A_115, %dma_wait3A_116] : memref<10240x128xf32, #tpu.memory_space<vmem_shared>> -> memref<10240x128xf32, #tpu.memory_space<vmem_shared>>
    tpu.wait_indirect_dma semaphore(%arg16 : memref<!tpu.dma_semaphore, #tpu.memory_space<semaphore_mem>>) src(%dma_wait3A_111 : memref<64x128xf32, #tpu.memory_space<vmem>>) dst(%dma_wait3A_117 : memref<10240x128xf32, #tpu.memory_space<vmem_shared>>)
    %dma_wait3A_118 = arith.constant 1 : i32
    %dma_wait3A_119 = arith.constant 1 : i32
    %dma_wait3A_120 = arith.constant 12 : i32
    %dma_wait3A_121 = arith.constant 0 : i32
    %dma_wait3A_122 = arith.constant 0 : i32
    %dma_wait3A_123 = tpu.memref_slice %arg9[%dma_wait3A_118, %dma_wait3A_121, %dma_wait3A_122] : memref<5x64x128xf32, #tpu.memory_space<vmem>> -> memref<1x64x128xf32, #tpu.memory_space<vmem>>
    %dma_wait3A_124 = tpu.memref_squeeze %dma_wait3A_123 : memref<1x64x128xf32, #tpu.memory_space<vmem>> -> memref<64x128xf32, #tpu.memory_space<vmem>>
    %dma_wait3A_125 = arith.constant 0 : i32
    %dma_wait3A_126 = tpu.memref_slice %arg8[%dma_wait3A_119, %dma_wait3A_120, %dma_wait3A_125] : memref<2x16x64xi32, #tpu.memory_space<vmem>> -> memref<1x1x64xi32, #tpu.memory_space<vmem>>
    %dma_wait3A_127 = tpu.memref_squeeze %dma_wait3A_126 : memref<1x1x64xi32, #tpu.memory_space<vmem>> -> memref<64xi32, #tpu.memory_space<vmem>>
    %dma_wait3A_128 = arith.constant 0 : i32
    %dma_wait3A_129 = arith.constant 0 : i32
    %dma_wait3A_130 = tpu.memref_slice %arg10[%dma_wait3A_128, %dma_wait3A_129] : memref<10240x128xf32, #tpu.memory_space<vmem_shared>> -> memref<10240x128xf32, #tpu.memory_space<vmem_shared>>
    tpu.wait_indirect_dma semaphore(%arg17 : memref<!tpu.dma_semaphore, #tpu.memory_space<semaphore_mem>>) src(%dma_wait3A_124 : memref<64x128xf32, #tpu.memory_space<vmem>>) dst(%dma_wait3A_130 : memref<10240x128xf32, #tpu.memory_space<vmem_shared>>)
    %dma_wait3A_131 = arith.constant 2 : i32
    %dma_wait3A_132 = arith.constant 1 : i32
    %dma_wait3A_133 = arith.constant 13 : i32
    %dma_wait3A_134 = arith.constant 0 : i32
    %dma_wait3A_135 = arith.constant 0 : i32
    %dma_wait3A_136 = tpu.memref_slice %arg9[%dma_wait3A_131, %dma_wait3A_134, %dma_wait3A_135] : memref<5x64x128xf32, #tpu.memory_space<vmem>> -> memref<1x64x128xf32, #tpu.memory_space<vmem>>
    %dma_wait3A_137 = tpu.memref_squeeze %dma_wait3A_136 : memref<1x64x128xf32, #tpu.memory_space<vmem>> -> memref<64x128xf32, #tpu.memory_space<vmem>>
    %dma_wait3A_138 = arith.constant 0 : i32
    %dma_wait3A_139 = tpu.memref_slice %arg8[%dma_wait3A_132, %dma_wait3A_133, %dma_wait3A_138] : memref<2x16x64xi32, #tpu.memory_space<vmem>> -> memref<1x1x64xi32, #tpu.memory_space<vmem>>
    %dma_wait3A_140 = tpu.memref_squeeze %dma_wait3A_139 : memref<1x1x64xi32, #tpu.memory_space<vmem>> -> memref<64xi32, #tpu.memory_space<vmem>>
    %dma_wait3A_141 = arith.constant 0 : i32
    %dma_wait3A_142 = arith.constant 0 : i32
    %dma_wait3A_143 = tpu.memref_slice %arg10[%dma_wait3A_141, %dma_wait3A_142] : memref<10240x128xf32, #tpu.memory_space<vmem_shared>> -> memref<10240x128xf32, #tpu.memory_space<vmem_shared>>
    tpu.wait_indirect_dma semaphore(%arg18 : memref<!tpu.dma_semaphore, #tpu.memory_space<semaphore_mem>>) src(%dma_wait3A_137 : memref<64x128xf32, #tpu.memory_space<vmem>>) dst(%dma_wait3A_143 : memref<10240x128xf32, #tpu.memory_space<vmem_shared>>)
    %dma_wait3A_144 = arith.constant 3 : i32
    %dma_wait3A_145 = arith.constant 1 : i32
    %dma_wait3A_146 = arith.constant 14 : i32
    %dma_wait3A_147 = arith.constant 0 : i32
    %dma_wait3A_148 = arith.constant 0 : i32
    %dma_wait3A_149 = tpu.memref_slice %arg9[%dma_wait3A_144, %dma_wait3A_147, %dma_wait3A_148] : memref<5x64x128xf32, #tpu.memory_space<vmem>> -> memref<1x64x128xf32, #tpu.memory_space<vmem>>
    %dma_wait3A_150 = tpu.memref_squeeze %dma_wait3A_149 : memref<1x64x128xf32, #tpu.memory_space<vmem>> -> memref<64x128xf32, #tpu.memory_space<vmem>>
    %dma_wait3A_151 = arith.constant 0 : i32
    %dma_wait3A_152 = tpu.memref_slice %arg8[%dma_wait3A_145, %dma_wait3A_146, %dma_wait3A_151] : memref<2x16x64xi32, #tpu.memory_space<vmem>> -> memref<1x1x64xi32, #tpu.memory_space<vmem>>
    %dma_wait3A_153 = tpu.memref_squeeze %dma_wait3A_152 : memref<1x1x64xi32, #tpu.memory_space<vmem>> -> memref<64xi32, #tpu.memory_space<vmem>>
    %dma_wait3A_154 = arith.constant 0 : i32
    %dma_wait3A_155 = arith.constant 0 : i32
    %dma_wait3A_156 = tpu.memref_slice %arg10[%dma_wait3A_154, %dma_wait3A_155] : memref<10240x128xf32, #tpu.memory_space<vmem_shared>> -> memref<10240x128xf32, #tpu.memory_space<vmem_shared>>
    tpu.wait_indirect_dma semaphore(%arg19 : memref<!tpu.dma_semaphore, #tpu.memory_space<semaphore_mem>>) src(%dma_wait3A_150 : memref<64x128xf32, #tpu.memory_space<vmem>>) dst(%dma_wait3A_156 : memref<10240x128xf32, #tpu.memory_space<vmem_shared>>)
    %dma_wait3A_157 = arith.constant 4 : i32
    %dma_wait3A_158 = arith.constant 1 : i32
    %dma_wait3A_159 = arith.constant 15 : i32
    %dma_wait3A_160 = arith.constant 0 : i32
    %dma_wait3A_161 = arith.constant 0 : i32
    %dma_wait3A_162 = tpu.memref_slice %arg9[%dma_wait3A_157, %dma_wait3A_160, %dma_wait3A_161] : memref<5x64x128xf32, #tpu.memory_space<vmem>> -> memref<1x64x128xf32, #tpu.memory_space<vmem>>
    %dma_wait3A_163 = tpu.memref_squeeze %dma_wait3A_162 : memref<1x64x128xf32, #tpu.memory_space<vmem>> -> memref<64x128xf32, #tpu.memory_space<vmem>>
    %dma_wait3A_164 = arith.constant 0 : i32
    %dma_wait3A_165 = tpu.memref_slice %arg8[%dma_wait3A_158, %dma_wait3A_159, %dma_wait3A_164] : memref<2x16x64xi32, #tpu.memory_space<vmem>> -> memref<1x1x64xi32, #tpu.memory_space<vmem>>
    %dma_wait3A_166 = tpu.memref_squeeze %dma_wait3A_165 : memref<1x1x64xi32, #tpu.memory_space<vmem>> -> memref<64xi32, #tpu.memory_space<vmem>>
    %dma_wait3A_167 = arith.constant 0 : i32
    %dma_wait3A_168 = arith.constant 0 : i32
    %dma_wait3A_169 = tpu.memref_slice %arg10[%dma_wait3A_167, %dma_wait3A_168] : memref<10240x128xf32, #tpu.memory_space<vmem_shared>> -> memref<10240x128xf32, #tpu.memory_space<vmem_shared>>
    tpu.wait_indirect_dma semaphore(%arg20 : memref<!tpu.dma_semaphore, #tpu.memory_space<semaphore_mem>>) src(%dma_wait3A_163 : memref<64x128xf32, #tpu.memory_space<vmem>>) dst(%dma_wait3A_169 : memref<10240x128xf32, #tpu.memory_space<vmem_shared>>)
    %barrier3A_170 = arith.constant 0 : index
    tpu.barrier barrier_id(%barrier3A_170)
    %mul3A_171 = arith.constant 640 : i32
    %mul3A_172 = arith.muli %arg1, %mul3A_171 : i32
    %mul3A_173 = arith.constant 640 : i32
    %mul3A_174 = arith.muli %arg1, %mul3A_173 : i32
    "tpu.region"() ({
      %run_scoped3A_175 = tpu.sem_alloc : memref<!tpu.dma_semaphore, #tpu.memory_space<semaphore_mem>>
      %dma_start3A_176 = arith.constant 0 : i32
      %dma_start3A_177 = tpu.memref_slice %arg6[%arg0, %mul3A_174, %dma_start3A_176] : memref<2x10240x128xf32, #tpu.memory_space<hbm>> -> memref<1x640x128xf32, #tpu.memory_space<hbm>>
      %dma_start3A_178 = tpu.memref_squeeze %dma_start3A_177 : memref<1x640x128xf32, #tpu.memory_space<hbm>> -> memref<640x128xf32, #tpu.memory_space<hbm>>
      %dma_start3A_179 = arith.constant 0 : i32
      %dma_start3A_180 = tpu.memref_slice %arg10[%mul3A_172, %dma_start3A_179] : memref<10240x128xf32, #tpu.memory_space<vmem_shared>> -> memref<640x128xf32, #tpu.memory_space<vmem_shared>>
      tpu.enqueue_dma source(%dma_start3A_180 : memref<640x128xf32, #tpu.memory_space<vmem_shared>>) target(%dma_start3A_178 : memref<640x128xf32, #tpu.memory_space<hbm>>) target_semaphore(%run_scoped3A_175 : memref<!tpu.dma_semaphore, #tpu.memory_space<semaphore_mem>>)
      %dma_wait3A_181 = arith.constant 0 : i32
      %dma_wait3A_182 = tpu.memref_slice %arg6[%arg0, %mul3A_174, %dma_wait3A_181] : memref<2x10240x128xf32, #tpu.memory_space<hbm>> -> memref<1x640x128xf32, #tpu.memory_space<hbm>>
      %dma_wait3A_183 = tpu.memref_squeeze %dma_wait3A_182 : memref<1x640x128xf32, #tpu.memory_space<hbm>> -> memref<640x128xf32, #tpu.memory_space<hbm>>
      %dma_wait3A_184 = arith.constant 0 : i32
      %dma_wait3A_185 = tpu.memref_slice %arg10[%mul3A_172, %dma_wait3A_184] : memref<10240x128xf32, #tpu.memory_space<vmem_shared>> -> memref<640x128xf32, #tpu.memory_space<vmem_shared>>
      tpu.wait_dma2 semaphore(%run_scoped3A_175 : memref<!tpu.dma_semaphore, #tpu.memory_space<semaphore_mem>>) src(%dma_wait3A_185 : memref<640x128xf32, #tpu.memory_space<vmem_shared>>) dst(%dma_wait3A_183 : memref<640x128xf32, #tpu.memory_space<hbm>>)
      tpu.yield
    }) : () -> ()
    return
  }
}

module attributes {stable_mosaic.version = 14 : i64} {
  func.func @_matmul_body(%arg0: i32, %arg1: memref<1024x128xf32, #tpu.memory_space<vmem>>, %arg2: memref<128x128xf32, #tpu.memory_space<vmem>>, %arg3: memref<1024x128xf32, #tpu.memory_space<vmem>>) attributes {dimension_semantics = [#tpu.dimension_semantics<arbitrary>], iteration_bounds = array<i64: 10>, scalar_prefetch = 0 : i64, scratch_operands = 0 : i64, tpu.core_type = #tpu.core_type<tc>, window_params = [{transform_indices = @transform_0, window_bounds = array<i64: 1024, 128>}, {pipeline_mode = #tpu.pipeline_mode<synchronous>, transform_indices = @transform_1, window_bounds = array<i64: 128, 128>}, {transform_indices = @transform_2, window_bounds = array<i64: 1024, 128>}]} {
    %get3A = arith.constant 0 : index
    %get3A_0 = arith.constant 0 : index
    %get3A_1 = vector.load %arg1[%get3A, %get3A_0] : memref<1024x128xf32, #tpu.memory_space<vmem>>, vector<1024x128xf32>
    %get3A_2 = arith.constant 0 : index
    %get3A_3 = arith.constant 0 : index
    %get3A_4 = vector.load %arg2[%get3A_2, %get3A_3] : memref<128x128xf32, #tpu.memory_space<vmem>>, vector<128x128xf32>
    %dot_general3A = arith.constant dense<0.000000e+00> : vector<1024x128xf32>
    %dot_general3A_5 = tpu.matmul %get3A_1, %get3A_4, %dot_general3A {dimension_numbers = #tpu.dot_dimension_numbers<[1], [0], [0], [1], [0, 0, 1, 1], [], []>, transpose_lhs_hint = false} : vector<1024x128xf32>, vector<128x128xf32>, vector<1024x128xf32> -> vector<1024x128xf32>
    %swap3A = arith.constant 0 : index
    %swap3A_6 = arith.constant 0 : index
    %swap3A_7 = vector.load %arg3[%swap3A, %swap3A_6] : memref<1024x128xf32, #tpu.memory_space<vmem>>, vector<1024x128xf32>
    tpu.vector_store %arg3[%swap3A, %swap3A_6], %dot_general3A_5 {strides = array<i32>} : memref<1024x128xf32, #tpu.memory_space<vmem>>, vector<1024x128xf32>,
    return
  }
  func.func @transform_0(%arg0: i32) -> (i32, i32) {
    %c0_i32 = arith.constant 0 : i32
    %c0_i32_0 = arith.constant 0 : i32
    return %arg0, %c0_i32 : i32, i32
  }
  func.func @transform_1(%arg0: i32) -> (i32, i32) {
    %c0_i32 = arith.constant 0 : i32
    %c0_i32_0 = arith.constant 0 : i32
    %c0_i32_1 = arith.constant 0 : i32
    return %c0_i32, %c0_i32_0 : i32, i32
  }
  func.func @transform_2(%arg0: i32) -> (i32, i32) {
    %c0_i32 = arith.constant 0 : i32
    %c0_i32_0 = arith.constant 0 : i32
    return %arg0, %c0_i32 : i32, i32
  }
}

module attributes {stable_mosaic.version = 14 : i64} {
  func.func @_scale_body(%arg0: i32, %arg1: memref<1024x128xf32, #tpu.memory_space<vmem>>, %arg2: memref<1024x1xf32, #tpu.memory_space<vmem>>, %arg3: memref<1024x1xf32, #tpu.memory_space<vmem>>, %arg4: memref<1024x128xf32, #tpu.memory_space<vmem>>) attributes {dimension_semantics = [#tpu.dimension_semantics<arbitrary>], iteration_bounds = array<i64: 10>, scalar_prefetch = 0 : i64, scratch_operands = 0 : i64, tpu.core_type = #tpu.core_type<tc>, window_params = [{transform_indices = @transform_0, window_bounds = array<i64: 1024, 128>}, {transform_indices = @transform_1, window_bounds = array<i64: 1024, 1>}, {transform_indices = @transform_2, window_bounds = array<i64: 1024, 1>}, {transform_indices = @transform_3, window_bounds = array<i64: 1024, 128>}]} {
    %get3A = arith.constant 0 : index
    %get3A_0 = arith.constant 0 : index
    %get3A_1 = vector.load %arg2[%get3A, %get3A_0] : memref<1024x1xf32, #tpu.memory_space<vmem>>, vector<1024x1xf32>
    %get3A_2 = arith.constant 0 : index
    %get3A_3 = arith.constant 0 : index
    %get3A_4 = vector.load %arg3[%get3A_2, %get3A_3] : memref<1024x1xf32, #tpu.memory_space<vmem>>, vector<1024x1xf32>
    %add3A = arith.addf %get3A_1, %get3A_4 : vector<1024x1xf32>
    %add3A_5 = arith.constant 1.000000e+00 : f32
    %add3A_6 = vector.broadcast %add3A_5 : f32 to vector<1024x1xf32>
    %add3A_7 = arith.addf %add3A, %add3A_6 : vector<1024x1xf32>
    %get3A_8 = arith.constant 0 : index
    %get3A_9 = arith.constant 0 : index
    %get3A_10 = vector.load %arg1[%get3A_8, %get3A_9] : memref<1024x128xf32, #tpu.memory_space<vmem>>, vector<1024x128xf32>
    %rsqrt3A = math.rsqrt %add3A_7 : vector<1024x1xf32>
    %mul3A = vector.broadcast %rsqrt3A : vector<1024x1xf32> to vector<1024x128xf32>
    %mul3A_11 = arith.mulf %get3A_10, %mul3A : vector<1024x128xf32>
    %swap3A = arith.constant 0 : index
    %swap3A_12 = arith.constant 0 : index
    %swap3A_13 = vector.load %arg4[%swap3A, %swap3A_12] : memref<1024x128xf32, #tpu.memory_space<vmem>>, vector<1024x128xf32>
    tpu.vector_store %arg4[%swap3A, %swap3A_12], %mul3A_11 {strides = array<i32>} : memref<1024x128xf32, #tpu.memory_space<vmem>>, vector<1024x128xf32>,
    return
  }
  func.func @transform_0(%arg0: i32) -> (i32, i32) {
    %c0_i32 = arith.constant 0 : i32
    %c0_i32_0 = arith.constant 0 : i32
    return %arg0, %c0_i32 : i32, i32
  }
  func.func @transform_1(%arg0: i32) -> (i32, i32) {
    %c0_i32 = arith.constant 0 : i32
    %c0_i32_0 = arith.constant 0 : i32
    return %arg0, %c0_i32 : i32, i32
  }
  func.func @transform_2(%arg0: i32) -> (i32, i32) {
    %c0_i32 = arith.constant 0 : i32
    %c0_i32_0 = arith.constant 0 : i32
    return %arg0, %c0_i32 : i32, i32
  }
  func.func @transform_3(%arg0: i32) -> (i32, i32) {
    %c0_i32 = arith.constant 0 : i32
    %c0_i32_0 = arith.constant 0 : i32
    return %arg0, %c0_i32 : i32, i32
  }
}

module attributes {stable_mosaic.version = 14 : i64} {
  func.func @_final_body(%arg0: i32, %arg1: memref<1x1000x128xf32, #tpu.memory_space<vmem>>, %arg2: memref<1x1000x128xf32, #tpu.memory_space<vmem>>, %arg3: memref<1000x128xf32, #tpu.memory_space<vmem>>, %arg4: memref<1000x1xf32, #tpu.memory_space<vmem>>, %arg5: memref<1000x1xf32, #tpu.memory_space<vmem>>, %arg6: memref<1x128xf32, #tpu.memory_space<vmem>>, %arg7: memref<1000x128xf32, #tpu.memory_space<vmem>>) attributes {dimension_semantics = [#tpu.dimension_semantics<arbitrary>], iteration_bounds = array<i64: 10>, scalar_prefetch = 0 : i64, scratch_operands = 0 : i64, tpu.core_type = #tpu.core_type<tc>, window_params = [{transform_indices = @transform_0, window_bounds = array<i64: 1, 1000, 128>}, {transform_indices = @transform_1, window_bounds = array<i64: 1, 1000, 128>}, {transform_indices = @transform_2, window_bounds = array<i64: 1000, 128>}, {transform_indices = @transform_3, window_bounds = array<i64: 1000, 1>}, {transform_indices = @transform_4, window_bounds = array<i64: 1000, 1>}, {pipeline_mode = #tpu.pipeline_mode<synchronous>, transform_indices = @transform_5, window_bounds = array<i64: 1, 128>}, {transform_indices = @transform_6, window_bounds = array<i64: 1000, 128>}]} {
    %get3A = arith.constant 0 : index
    %get3A_0 = arith.constant 0 : index
    %get3A_1 = vector.load %arg4[%get3A, %get3A_0] : memref<1000x1xf32, #tpu.memory_space<vmem>>, vector<1000x1xf32>
    %get3A_2 = arith.constant 0 : index
    %get3A_3 = arith.constant 0 : index
    %get3A_4 = vector.load %arg5[%get3A_2, %get3A_3] : memref<1000x1xf32, #tpu.memory_space<vmem>>, vector<1000x1xf32>
    %add3A = arith.addf %get3A_1, %get3A_4 : vector<1000x1xf32>
    %add3A_5 = arith.constant 1.000000e+00 : f32
    %add3A_6 = vector.broadcast %add3A_5 : f32 to vector<1000x1xf32>
    %add3A_7 = arith.addf %add3A, %add3A_6 : vector<1000x1xf32>
    %get3A_8 = arith.constant 0 : index
    %get3A_9 = arith.constant 0 : index
    %get3A_10 = arith.constant 0 : index
    %get3A_11 = vector.load %arg1[%get3A_8, %get3A_9, %get3A_10] : memref<1x1000x128xf32, #tpu.memory_space<vmem>>, vector<1x1000x128xf32>
    %get3A_12 = vector.shape_cast %get3A_11 : vector<1x1000x128xf32> to vector<1000x128xf32>
    %get3A_13 = arith.constant 0 : index
    %get3A_14 = arith.constant 0 : index
    %get3A_15 = arith.constant 0 : index
    %get3A_16 = vector.load %arg2[%get3A_13, %get3A_14, %get3A_15] : memref<1x1000x128xf32, #tpu.memory_space<vmem>>, vector<1x1000x128xf32>
    %get3A_17 = vector.shape_cast %get3A_16 : vector<1x1000x128xf32> to vector<1000x128xf32>
    %add3A_18 = arith.addf %get3A_12, %get3A_17 : vector<1000x128xf32>
    %get3A_19 = arith.constant 0 : index
    %get3A_20 = arith.constant 0 : index
    %get3A_21 = vector.load %arg3[%get3A_19, %get3A_20] : memref<1000x128xf32, #tpu.memory_space<vmem>>, vector<1000x128xf32>
    %add3A_22 = arith.addf %add3A_18, %get3A_21 : vector<1000x128xf32>
    %rsqrt3A = math.rsqrt %add3A_7 : vector<1000x1xf32>
    %mul3A = vector.broadcast %rsqrt3A : vector<1000x1xf32> to vector<1000x128xf32>
    %mul3A_23 = arith.mulf %add3A_22, %mul3A : vector<1000x128xf32>
    %get3A_24 = arith.constant 0 : index
    %get3A_25 = arith.constant 0 : index
    %get3A_26 = vector.load %arg6[%get3A_24, %get3A_25] : memref<1x128xf32, #tpu.memory_space<vmem>>, vector<1x128xf32>
    %add3A_27 = vector.broadcast %get3A_26 : vector<1x128xf32> to vector<1000x128xf32>
    %add3A_28 = arith.addf %mul3A_23, %add3A_27 : vector<1000x128xf32>
    %mul3A_29 = arith.constant 5.000000e-01 : f32
    %mul3A_30 = vector.broadcast %mul3A_29 : f32 to vector<1000x128xf32>
    %mul3A_31 = arith.mulf %add3A_28, %mul3A_30 : vector<1000x128xf32>
    %mul3A_32 = arith.constant 0.707106769 : f32
    %mul3A_33 = vector.broadcast %mul3A_32 : f32 to vector<1000x128xf32>
    %mul3A_34 = arith.mulf %add3A_28, %mul3A_33 : vector<1000x128xf32>
    %erf3A = math.erf %mul3A_34 : vector<1000x128xf32>
    %add3A_35 = arith.constant 1.000000e+00 : f32
    %add3A_36 = vector.broadcast %add3A_35 : f32 to vector<1000x128xf32>
    %add3A_37 = arith.addf %add3A_36, %erf3A : vector<1000x128xf32>
    %mul3A_38 = arith.mulf %mul3A_31, %add3A_37 : vector<1000x128xf32>
    %swap3A = arith.constant 0 : index
    %swap3A_39 = arith.constant 0 : index
    %swap3A_40 = vector.load %arg7[%swap3A, %swap3A_39] : memref<1000x128xf32, #tpu.memory_space<vmem>>, vector<1000x128xf32>
    tpu.vector_store %arg7[%swap3A, %swap3A_39], %mul3A_38 {strides = array<i32>} : memref<1000x128xf32, #tpu.memory_space<vmem>>, vector<1000x128xf32>,
    return
  }
  func.func @transform_0(%arg0: i32) -> (i32, i32, i32) {
    %c0_i32 = arith.constant 0 : i32
    %c0_i32_0 = arith.constant 0 : i32
    %c0_i32_1 = arith.constant 0 : i32
    return %c0_i32, %arg0, %c0_i32_0 : i32, i32, i32
  }
  func.func @transform_1(%arg0: i32) -> (i32, i32, i32) {
    %c1_i32 = arith.constant 1 : i32
    %c0_i32 = arith.constant 0 : i32
    %c0_i32_0 = arith.constant 0 : i32
    return %c1_i32, %arg0, %c0_i32 : i32, i32, i32
  }
  func.func @transform_2(%arg0: i32) -> (i32, i32) {
    %c0_i32 = arith.constant 0 : i32
    %c0_i32_0 = arith.constant 0 : i32
    return %arg0, %c0_i32 : i32, i32
  }
  func.func @transform_3(%arg0: i32) -> (i32, i32) {
    %c0_i32 = arith.constant 0 : i32
    %c0_i32_0 = arith.constant 0 : i32
    return %arg0, %c0_i32 : i32, i32
  }
  func.func @transform_4(%arg0: i32) -> (i32, i32) {
    %c0_i32 = arith.constant 0 : i32
    %c0_i32_0 = arith.constant 0 : i32
    return %arg0, %c0_i32 : i32, i32
  }
  func.func @transform_5(%arg0: i32) -> (i32, i32) {
    %c0_i32 = arith.constant 0 : i32
    %c0_i32_0 = arith.constant 0 : i32
    %c0_i32_1 = arith.constant 0 : i32
    return %c0_i32, %c0_i32_0 : i32, i32
  }
  func.func @transform_6(%arg0: i32) -> (i32, i32) {
    %c0_i32 = arith.constant 0 : i32
    %c0_i32_0 = arith.constant 0 : i32
    return %arg0, %c0_i32 : i32, i32
  }
}

</mosaic_0001>

<sc_bundles>
// kernel: kernel.10.cloned.1.call-start
scs
__scs_entry_jumppad:
0x0: {  	(pc) =	sbr.rel $0x88, $3  }
0x1: {  	(tag) =	ssettag $0x0;
	lr =	simm.s32 $0x1  }
0x2: {  	[smem:$0x3F9D] =	sst lr;
	_ =	strace $0xD0000000  }
0x3: {  	_ = 	snop  }
0x4: {  	_ = 	snop  }
0x5: {  	_ = 	snop  }
0x6: {  	_ = 	snop  }
0x7: {  	_ = 	snop  }
__scs_overlays_trampoline_lowered:
0x8: {  	[smem:$0x3FAC] =	sst s0  }
0x9: {  	[smem:$0x3FAD] =	sst s1  }
0xa: {  	[smem:$0x3FAE] =	sst s2  }
0xb: {  	[smem:$0x3FAF] =	sst s3  }
0xc: {  	[smem:$0x3FB0] =	sst s4  }
0xd: {  	[smem:$0x3FB1] =	sst s5  }
0xe: {  	[smem:$0x3FB2] =	sst s6  }
0xf: {  	[smem:$0x3FB3] =	sst s7  }
0x10: {  	[smem:$0x3FB4] =	sst s8  }
0x11: {  	[smem:$0x3FB5] =	sst s9;
	s0 =	simm.s32 @!p0 $0x0  }
0x12: {  	s1 =	sld [smem:$0x3F9B];
	s0 =	simm.s32 @p0 $0x1  }
0x13: {  	[smem:$0x3FB6] =	sst s0;
	s0 =	simm.s32 @!p1 $0x0  }
0x14: {  	s2 =	sld [smem:$0x3F9A];
	s0 =	simm.s32 @p1 $0x1  }
0x15: {  	[smem:$0x3FB7] =	sst s0;
	s0 =	simm.s32 @!p2 $0x0  }
0x16: {  	s3 =	sld [smem:$0x3FDB];
	s0 =	simm.s32 @p2 $0x1  }
0x17: {  	s4 =	simm.s32 $0x1BF5;
	[smem:$0x3FB9] =	sst s0  }
0x18: {  	s0 =	sld [smem:$0x3F9C];
	_ =	swait.ge [sflag:s4], $0x0  }
0x19: {  	s7 =	sld [smem:$0x3F9D]  }
0x1a: {  	s8 =	sadd.s32 $0xFFFFE003, lr  }
0x1b: {  	s9 =	sadd.s32 $0xFFFFFEF7, lr;
	s5 =	simm.s32 $0xFFFFFFFF;
	p2 =	slt.u32 s8, $0xFFFFF086  }
0x1c: {  	p1 =	slt.u32 s9, $0xF7A;
	s5 =	simm.s32 @!p2 $0x0  }
0x1d: {  	s5 =	simm.s32 @p1 $0x1;
	p0 =	seq.s32 s7, s2  }
0x1e: {  	s7 =	smul.u32 @!p0 $0xF7A, s2;
	p2 =	seq.s32 @!p0 s5, $0x0  }
0x1f: {  	s9 =	smul.u32 $0xF7A, s1;
	s8 =	simm.s32 @!p0 $0x1BF5;
	p2 =	por !p2, p0  }
0x20: {  	[sflag:s8] =	ssyncset.s32 @!p0 $0xFFFFF086;
	s6 =	sadd.s32 @!p0 s3, s7;
	s7 =	simm.s32 @!p0 $0x108  }
0x21: {  	s3 =	sadd.s32 s3, s9;
	s6 =	sadd.s32 @!p0 $0x88, s6;
	s7 =	simm.s32 @p2 $0x1082  }
0x22: {  	[simem:s7], [sflag:s8] =	dma.local @!p0 [hbm:s6], $0xF7A  }
0x23: {  	s9 =	sor.u32 $0xD0000000, s2;
	s6 =	simm.s32 $0x108;
	_ =	swait.ge @!p0 [sflag:s8], $0x0  }
0x24: {  	s3 =	sadd.s32 $0x88, s3;
	s6 =	simm.s32 @!p1 $0x1082;
	[sflag:s4] =	ssyncset.s32 $0xFFFFF086  }
0x25: {  	[simem:s6], [sflag:s4] =	dma.local [hbm:s3], $0xF7A  }
0x26: {  	[smem:$0x3F9D] =	sst s1;
	(tag) =	ssettag s2;
	_ =	strace s9  }
0x27: {  	s1 =	sld [smem:$0x3FAD]  }
0x28: {  	s2 =	sld [smem:$0x3FAE]  }
0x29: {  	s4 =	sld [smem:$0x3FB0]  }
0x2a: {  	p0 =	seq.s32 s5, $0x0;
	s5 =	sld [smem:$0x3FB1]  }
0x2b: {  	s6 =	sld [smem:$0x3FB2]  }
0x2c: {  	s7 =	sld [smem:$0x3FB3]  }
0x2d: {  	s3 =	simm.s32 $0x108;
	s8 =	sld [smem:$0x3FB4]  }
0x2e: {  	s3 =	simm.s32 @!p0 $0x1082;
	s9 =	sld [smem:$0x3FB5]  }
0x2f: {  	lr =	sadd.s32 s0, s3;
	s0 =	sld [smem:$0x3FAC]  }
0x30: {  	s3 =	sld [smem:$0x3FAF]  }
0x31: {  	[smem:$0x3FB8] =	sst s10  }
0x32: {  	s10 =	sld [smem:$0x3FB6];
	_ =	sdelay $0x3  }
0x33: {  	p0 =	seq.s32 s10, $0x1;
	s10 =	sld [smem:$0x3FB8];
	_ =	sdelay $0x3  }
0x34: {  	[smem:$0x3FB8] =	sst s10  }
0x35: {  	s10 =	sld [smem:$0x3FB7];
	_ =	sdelay $0x3  }
0x36: {  	p1 =	seq.s32 s10, $0x1;
	s10 =	sld [smem:$0x3FB8];
	_ =	sdelay $0x3  }
0x37: {  	[smem:$0x3FB8] =	sst s10  }
0x38: {  	s10 =	sld [smem:$0x3FB9]  }
0x39: {  	_ = 	snop;
	(pc) =	sbr.ind lr, $3  }
0x3a: {  	_ = 	snop  }
0x3b: {  	_ = 	snop  }
0x3c: {  	p2 =	seq.s32 s10, $0x1;
	s10 =	sld [smem:$0x3FB8]  }
0x3d: {  	_ =	shalt  }
0x3e: {  	_ =	shalt  }
0x3f: {  	_ =	shalt  }
0x40: {  	_ =	shalt  }
0x41: {  	_ =	shalt  }
0x42: {  	_ =	shalt  }
0x43: {  	_ =	shalt  }
0x44: {  	_ =	shalt  }
0x45: {  	_ =	shalt  }
0x46: {  	_ =	shalt  }
0x47: {  	_ =	shalt  }
0x48: {  	_ =	shalt  }
0x49: {  	_ =	shalt  }
0x4a: {  	_ =	shalt  }
0x4b: {  	_ =	shalt  }
0x4c: {  	_ =	shalt  }
0x4d: {  	_ =	shalt  }
0x4e: {  	_ =	shalt  }
0x4f: {  	_ =	shalt  }
0x50: {  	_ =	shalt  }
0x51: {  	_ =	shalt  }
0x52: {  	_ =	shalt  }
0x53: {  	_ =	shalt  }
0x54: {  	_ =	shalt  }
0x55: {  	_ =	shalt  }
0x56: {  	_ =	shalt  }
0x57: {  	_ =	shalt  }
0x58: {  	_ =	shalt  }
0x59: {  	_ =	shalt  }
0x5a: {  	_ =	shalt  }
0x5b: {  	_ =	shalt  }
0x5c: {  	_ =	shalt  }
0x5d: {  	_ =	shalt  }
0x5e: {  	_ =	shalt  }
0x5f: {  	_ =	shalt  }
0x60: {  	_ =	shalt  }
0x61: {  	_ =	shalt  }
0x62: {  	_ =	shalt  }
0x63: {  	_ =	shalt  }
0x64: {  	_ =	shalt  }
0x65: {  	_ =	shalt  }
0x66: {  	_ =	shalt  }
0x67: {  	_ =	shalt  }
0x68: {  	_ =	shalt  }
0x69: {  	_ =	shalt  }
0x6a: {  	_ =	shalt  }
0x6b: {  	_ =	shalt  }
0x6c: {  	_ =	shalt  }
0x6d: {  	_ =	shalt  }
0x6e: {  	_ =	shalt  }
0x6f: {  	_ =	shalt  }
0x70: {  	_ =	shalt  }
0x71: {  	_ =	shalt  }
0x72: {  	_ =	shalt  }
0x73: {  	_ =	shalt  }
0x74: {  	_ =	shalt  }
0x75: {  	_ =	shalt  }
0x76: {  	_ =	shalt  }
0x77: {  	_ =	shalt  }
0x78: {  	_ =	shalt  }
0x79: {  	_ =	shalt  }
0x7a: {  	_ =	shalt  }
0x7b: {  	_ =	shalt  }
0x7c: {  	_ =	shalt  }
0x7d: {  	_ =	shalt  }
0x7e: {  	_ =	shalt  }
0x7f: {  	_ =	shalt  }
0x80: {  	_ =	shalt  }
0x81: {  	_ =	shalt  }
0x82: {  	_ =	shalt  }
0x83: {  	_ =	shalt  }
0x84: {  	_ =	shalt  }
0x85: {  	_ =	shalt  }
0x86: {  	_ =	shalt  }
0x87: {  	_ =	shalt  }
.Lfunc_end0:
.L_simem_size_0:
called_computation.1_lowered:
.L_overlay_start_0:
0x88: {  	s2 =	sld [smem:$0x3FD9]  }
0x89: {  	s3 =	sld [smem:$0x3FFE];
	_ =	sdelay $0x1  }
0x8a: {  	s1 =	srdreg.scid  }
0x8b: {  	s0 =	sand.u32 $0x1, s1  }
0x8c: {  	s17 =	sshll.u32 s0, $0xA;
	s2 =	sadd.s32 s3, s2  }
0x8d: {  	s2 =	sadd.s32 s2, s17  }
0x8e: {  	[smem:$0x3FC4] =	sst s2  }
0x8f: {  	_ = 	snop  }
0x90: {  	s2 =	sld [smem:$0x3FD0];
	(tm) =	ssettm $0x1  }
0x91: {  	s18 =	sld [smem:$0x3FFB];
	_ =	sdelay $0x3  }
0x92: {  	_ =	strace s18  }
0x93: {  	s3 =	sld [smem:$0x3FFC];
	_ =	sdelay $0x3  }
0x94: {  	_ =	strace s3  }
0x95: {  	s3 =	sld [smem:$0x3FFD];
	_ =	sdelay $0x3  }
0x96: {  	_ =	strace s3  }
0x97: {  	_ =	strace $0x8FFFFFFF  }
0x98: {  	s19 =	sld [smem:$0x3FDB];
	_ =	sdelay $0x1  }
0x99: {  	s4 =	simm.s32 $_scs_section_size  }
0x9a: {  	s5 =	simm.s32 $_size__tile_overlayer_lowered;
	s6 =	simm.s32 $_tile_overlayer_lowered  }
0x9b: {  	s22 =	simm.s32 $0x1BFF;
	s21 =	sshll.u32 s6, $0x1;
	s3 =	sadd.s32 s4, s19  }
0x9c: {  	s7 =	simm.s32 $0x0;
	s20 =	sshll.u32 s5, $0x1;
	s5 =	sadd.s32 s21, s3  }
0x9d: {  	[timem:s7], [sflag:s22] =	dma.local [hbm:s5], s20  }
0x9e: {  	_ =	swait.ge [sflag:s22], s20  }
0x9f: {  	s4 =	ssub.s32 $0x0, s20;
	[sflag:s22] =	ssyncset.done $0x0  }
0xa0: {  	[sflag:s22] =	ssyncadd.s32 s4;
	_ =	sdelay $0x1  }
0xa1: {  	s23 =	simm.s32 $0x1B8B  }
0xa2: {  	_ =	swait.ge [sflag:s23], $0x1  }
0xa3: {  	[sflag:s23] =	ssyncset.done $0x0  }
0xa4: {  	s25 =	simm.s32 $0x1B8E;
	s24 =	sld [smem:$0x3FFE];
	[sflag:s23] =	ssyncadd.s32 $0xFFFFFFFF  }
0xa5: {  	s26 =	simm.s32 $execute0_lowered;
	[smem:$0x3FD2] =	sst s25  }
0xa6: {  	s5 =	sshll.u32 s26, $0x1;
	_ =	strace $0x80000049;
	[dreg:$0x1] =	wrdreg $0xFFFFFFFF  }
0xa7: {  	s28 =	simm.s32 $_size_execute0_lowered;
	s3 =	sadd.s32 s3, s5;
	[dreg:$0x0] =	wrdreg $0x0  }
0xa8: {  	s5 =	sshll.u32 s28, $0x1;
	[dreg:$0x2] =	wrdreg s3  }
0xa9: {  	[dreg:$0x3] =	wrdreg s5  }
0xaa: {  	[dreg:$0x4] =	wrdreg $0xC0  }
0xab: {  	_ =	task [dreg:s7], $0x5FFFF  }
0xac: {  	[dreg:$0x1] =	wrdreg $0xFFFFFFFF  }
0xad: {  	[dreg:$0x0] =	wrdreg $0x60  }
0xae: {  	[dreg:$0x2] =	wrdreg s2  }
0xaf: {  	[dreg:$0x3] =	wrdreg s24  }
0xb0: {  	[dreg:$0x4] =	wrdreg $0xC0000  }
0xb1: {  	[dreg:$0x5] =	wrdreg $0x9  }
0xb2: {  	_ =	task.clear_ibuf [dreg:s7], $0x6FFFF;
	_ =	strace $0x90000049  }
0xb3: {  	s29 =	simm.s32 $0x9;
	_ =	strace $0x8000004B  }
0xb4: {  	_ =	swait.ge [sflag:s29], $0x1  }
0xb5: {  	[sflag:s29] =	ssyncadd.s32 $0xFFFFFFFF  }
0xb6: {  	_ =	strace $0x9000004B  }
0xb7: {  	_ =	sfence  }
0xb8: {  	s30 =	sld [smem:$0x0];
	_ =	sdelay $0x2  }
0xb9: {  	s31 =	sshll.u32 s1, $0xD;
	s1 =	sshrl.u32 s1, $0x2  }
0xba: {  	s3 =	sand.u32 $0x4000, s31;
	s1 =	sadd.s32 s1, s30  }
0xbb: {  	s0 =	sor.u32 s3, s0;
	s1 =	sshll.u32 s1, $0x11  }
0xbc: {  	s0 =	sor.u32 s1, s0  }
0xbd: {  	s0 =	sadd.s32 $0x8F2B, s0  }
0xbe: {  	[sflag:s0] =	ssyncadd.remote.s32 $0x1  }
0xbf: {  	_ =	sfence.sel $0xFFFF  }
0xc0: {  	[dreg:$0x0] =	wrdreg $0xFFFFFFFF;
	(pc) =	sbr.abs _section_cstart, $3  }
0xc1: {  	[dreg:$0x1] =	wrdreg $0xFFFFFFFF  }
0xc2: {  	_ =	task.clear_ibuf [dreg:s7], $0x2FFFF;
	_ =	strace $0x9FFFFFFF  }
0xc3: {  	(tm) =	ssettm $0x7FFFFFFF  }
tec
execute0_lowered:
.L_overlay_start_1:
0x0: {  	(tag) =	ssettag $0x1  }
0x1: {  	s0 =	srdreg.scid;
	s1 =	rddreg [dreg:$0x0]  }
0x2: {  	s12 =	stileid.u32;
	s6 =	rddreg [dreg:$0x1]  }
0x3: {  	s18 =	simm.s32 $0x40;
	s28 =	simm.s32 $0x7;
	s29 =	simm.s32 $0x8  }
0x4: {  	s30 =	simm.s32 $0x9;
	s31 =	simm.s32 $0xA;
	s8 =	smul.u32 $0x14000, s12  }
0x5: {  	s0 =	sand.u32 $0x1, s0;
	s4 =	sadd.s32 $0x20A00, s6;
	s10 =	smul.u32 $0x50000, s12  }
0x6: {  	s25 =	sshll.u32 s12, $0x6;
	s2 =	sshll.u32 s0, $0x4;
	s5 =	smul.u32 $0x140000, s0  }
0x7: {  	s0 =	ssub.s32 $0x2, s0;
	s3 =	sor.u32 s12, s2;
	s2 =	rddreg [dreg:$0x2]  }
0x8: {  	s23 =	sshrl.u32 s0, $0x1;
	s24 =	sshrl.u32 s10, $0x2;
	s12 =	simm.s32 $0xC  }
0x9: {  	s7 =	smul.u32 $0xA00, s3;
	s3 =	simm.s32 $0x0;
	s5 =	sadd.s32 s8, s5  }
0xa: {  	s0 =	ssub.s32 s0, s23;
	s26 =	sadd.s32 s24, s2;
	s24 =	simm.s32 $0x180  }
0xb: {  	[smem:$0x7FF] =	sst s3;
	s8 =	sshrl.u32 s5, $0x3;
	s5 =	sadd.s32 $0x1C00, s6  }
.Ltmp0:
0xc: {  	s10 =	smax.u32 s0, $0x1;
	_ =	strace $0x8000004A;
	(pc) =	sbr.rel .LBB2_1-.Ltmp0, $4  }
0xd: {  	s9 =	sadd.s32 s7, s6;
	s11 =	sadd.s32 s8, s6;
	s6 =	sor.u32 $0x1C0C, s25  }
0xe: {  	s7 =	sadd.s32 s1, s7;
	s25 =	simm.s32 $0x8000;
	s1 =	simm.s32 $0x0  }
0xf: {  	s8 =	sadd.s32 $0xCA00, s9;
	s9 =	sadd.s32 $0x48A00, s11;
	s11 =	sshrl.u32 s26, $0x3  }
0x10: {  	s14 =	sadd.s32 $0x100, s7;
	s26 =	simm.s32 $0x6;
	s16 =	sadd.s32 $0x100, s8  }
.LBB2_9:
0x11: {  	_ =	swait.ge [sflag:s26], $0x2000  }
0x12: {  	[sflag:s26] =	ssyncset.done $0x0  }
0x13: {  	[sflag:s26] =	ssyncadd.s32 $0xFFFFE000  }
0x14: {  	_ =	swait.ge [sflag:s28], $0x2000  }
0x15: {  	[sflag:s28] =	ssyncset.done $0x0  }
0x16: {  	[sflag:s28] =	ssyncadd.s32 $0xFFFFE000  }
0x17: {  	_ =	swait.ge [sflag:s29], $0x2000  }
0x18: {  	[sflag:s29] =	ssyncset.done $0x0  }
0x19: {  	[sflag:s29] =	ssyncadd.s32 $0xFFFFE000  }
0x1a: {  	_ =	swait.ge [sflag:s30], $0x2000  }
0x1b: {  	[sflag:s30] =	ssyncset.done $0x0  }
0x1c: {  	[sflag:s30] =	ssyncadd.s32 $0xFFFFE000  }
0x1d: {  	_ =	swait.ge [sflag:s31], $0x2000  }
0x1e: {  	s1 =	sadd.s32 $0x1, s1;
	[sflag:s31] =	ssyncset.done $0x0  }
0x1f: {  	p0 =	sne.s32 s1, s10;
	[sflag:s31] =	ssyncadd.s32 $0xFFFFE000  }
.Ltmp1:
0x20: {  	[bflag:$0x0] =	sbarrier.arrive $0xFFFF;
	(pc) =	sbr.rel @!p0 .LBB2_10-.Ltmp1, $4  }
0x21: {  	[hbm:s9], [sflag:s6] =	dma.local [spmem:s11], $0x2800  }
0x22: {  	_ =	swait.ge [sflag:s12], $0x2800  }
0x23: {  	[sflag:s12] =	ssyncset.done $0x0  }
0x24: {  	[sflag:s12] =	ssyncadd.s32 $0xFFFFD800  }
.LBB2_1:
0x25: {  	[spmem:s11], [sflag:s6] =	dma.local [hbm:s5], $0x2800  }
0x26: {  	_ =	swait.ge [sflag:s12], $0x2800  }
0x27: {  	[sflag:s12] =	ssyncset.done $0x0  }
0x28: {  	[sflag:s12] =	ssyncadd.s32 $0xFFFFD800  }
0x29: {  	[tilespmem:s3], [sflag:$0xC] =	stream.linear.gather [hbm4b:s7+s3], $0x800, $0x38;
	v63 =	vld [tilespmem:$0x0]  }
0x2a: {  	_ =	swait.ge [sflag:s12], $0x800  }
0x2b: {  	[sflag:s12] =	ssyncset.done $0x0  }
0x2c: {  	s0 =	simm.s32 $0x1000;
	[sflag:s12] =	ssyncadd.s32 $0xFFFFF800  }
0x2d: {  	[tilespmem:s0], [sflag:$0xC] =	stream.linear.gather [hbm4b:s8+s3], $0x800, $0x38;
	v63 =	vld [tilespmem:$0x0]  }
0x2e: {  	_ =	swait.ge [sflag:s12], $0x800  }
0x2f: {  	[sflag:s12] =	ssyncset.done $0x0  }
0x30: {  	s17 =	simm.s32 $0x800;
	[sflag:s12] =	ssyncadd.s32 $0xFFFFF800  }
0x31: {  	[tilespmem:s17], [sflag:$0xB] =	stream.linear.gather [hbm4b:s14+s3], $0x800, $0x38;
	v63 =	vld [tilespmem:$0x0]  }
0x32: {  	s19 =	simm.s32 $0x1800  }
0x33: {  	[tilespmem:s19], [sflag:$0xB] =	stream.linear.gather [hbm4b:s16+s3], $0x800, $0x38;
	v63 =	vld [tilespmem:$0x0]  }
0x34: {  	s20 =	simm.s32 $0x2000;
	[bflag:$0x0] =	sbarrier.arrive $0xFFFF  }
0x35: {  	[tilespmem:s20], [sflag:$0x1] =	stream.indirect.gather [hbm4b:s4+s18], $0x80, s3, s18, $0xb8;
	v63 =	vld [tilespmem:$0x0]  }
0x36: {  	s21 =	simm.s32 $0x80;
	s13 =	simm.s32 $0x4000  }
0x37: {  	[tilespmem:s13], [sflag:$0x2] =	stream.indirect.gather [hbm4b:s4+s18], $0x80, s21, s18, $0xb8;
	v63 =	vld [tilespmem:$0x0]  }
.Ltmp2:
0x38: {  	_ = 	snop;
	(pc) =	sbr.rel .LBB2_2-.Ltmp2, $4  }
0x39: {  	s22 =	simm.s32 $0x100;
	s23 =	simm.s32 $0x6000  }
0x3a: {  	[tilespmem:s23], [sflag:$0x3] =	stream.indirect.gather [hbm4b:s4+s18], $0x80, s22, s18, $0xb8;
	v63 =	vld [tilespmem:$0x0]  }
0x3b: {  	s0 =	simm.s32 $0x200;
	s13 =	simm.s32 $0x0  }
0x3c: {  	[tilespmem:s25], [sflag:$0x4] =	stream.indirect.gather [hbm4b:s4+s18], $0x80, s24, s18, $0xb8;
	v63 =	vld [tilespmem:$0x0]  }
.LBB2_7:
0x3d: {  	p0 =	seq.s32 s19, $0x2  }
0x3e: {  	p1 =	slt.u32 @p0 s13, $0x9C  }
0x3f: {  	p2 =	por !p1, !p0  }
0x40: {  	s20 =	simm.s32 @!p2 $0x7  }
0x41: {  	_ =	swait.ge @!p2 [sflag:s20], $0x2000  }
0x42: {  	s21 =	simm.s32 @!p2 $0x40;
	[sflag:s20] =	ssyncset.done @!p2 $0x0  }
0x43: {  	s22 =	simm.s32 @!p2 $0x4000;
	[sflag:s20] =	ssyncadd.s32 @!p2 $0xFFFFE000;
	s20 =	sand.u32 @!p2 $0xF80, s0  }
0x44: {  	[tilespmem:s22], [sflag:$0x2] =	stream.indirect.gather @!p2 [hbm4b:s4+s21], $0x80, s20, s21, $0xb8;
	v63 =	vld [tilespmem:$0x0]  }
0x45: {  	s20 =	simm.s32 @!p2 $0x3  }
0x46: {  	s23 =	sshll.u32 @!p2 s15, $0x7;
	s22 =	sshll.u32 @!p2 s17, $0xB;
	_ =	swait.ge @!p2 [sflag:s20], $0x2000  }
0x47: {  	p1 =	por p1, !p0;
	s22 =	sor.u32 @!p2 s23, s22;
	[sflag:s20] =	ssyncset.done @!p2 $0x0  }
0x48: {  	[sflag:s20] =	ssyncadd.s32 @!p2 $0xFFFFE000;
	s20 =	sor.u32 @!p2 $0x1000, s22;
	s22 =	simm.s32 @!p2 $0x6000  }
0x49: {  	[spmem:s2] =	stream.indirect.scatter.add.f32 @!p2 [tilespmem:s22], [sflag:$0x8], $0x80, s20, s21, $0xb8;
	v63 =	vld [tilespmem:$0x0]  }
0x4a: {  	s20 =	simm.s32 @!p1 $0x3  }
0x4b: {  	_ =	swait.ge @!p1 [sflag:s20], $0x2000  }
0x4c: {  	s21 =	sshll.u32 @!p1 s17, $0xB;
	s22 =	sshll.u32 @!p1 s15, $0x7;
	[sflag:s20] =	ssyncset.done @!p1 $0x0  }
0x4d: {  	[sflag:s20] =	ssyncadd.s32 @!p1 $0xFFFFE000;
	s20 =	sor.u32 @!p1 s22, s21  }
0x4e: {  	s21 =	simm.s32 @!p1 $0x40;
	s22 =	simm.s32 @!p1 $0x6000;
	s20 =	sor.u32 @!p1 $0x1000, s20  }
0x4f: {  	[spmem:s2] =	stream.indirect.scatter.add.f32 @!p1 [tilespmem:s22], [sflag:$0x8], $0x80, s20, s21, $0xb8;
	v63 =	vld [tilespmem:$0x0]  }
0x50: {  	p1 =	seq.s32 @!p0 s19, $0x3  }
0x51: {  	p2 =	por !p1, p0  }
0x52: {  	p3 =	sgt.u32 @!p2 s13, $0x9B  }
0x53: {  	p3 =	por @!p0 p3, !p1  }
0x54: {  	p3 =	por p3, p0  }
0x55: {  	s19 =	simm.s32 @!p3 $0x8  }
0x56: {  	_ =	swait.ge @!p3 [sflag:s19], $0x2000  }
0x57: {  	s20 =	simm.s32 @!p3 $0x40;
	[sflag:s19] =	ssyncset.done @!p3 $0x0  }
0x58: {  	s21 =	simm.s32 @!p3 $0x6000;
	[sflag:s19] =	ssyncadd.s32 @!p3 $0xFFFFE000;
	s19 =	sand.u32 @!p3 $0xF80, s0  }
0x59: {  	[tilespmem:s21], [sflag:$0x3] =	stream.indirect.gather @!p3 [hbm4b:s4+s20], $0x80, s19, s20, $0xb8;
	v63 =	vld [tilespmem:$0x0]  }
0x5a: {  	s19 =	simm.s32 @!p2 $0x4  }
0x5b: {  	_ =	swait.ge @!p2 [sflag:s19], $0x2000  }
0x5c: {  	s20 =	sshll.u32 @!p2 s17, $0xB;
	s21 =	sshll.u32 @!p2 s15, $0x7;
	[sflag:s19] =	ssyncset.done @!p2 $0x0  }
0x5d: {  	[sflag:s19] =	ssyncadd.s32 @!p2 $0xFFFFE000;
	s19 =	sor.u32 @!p2 s21, s20  }
0x5e: {  	s20 =	simm.s32 @!p2 $0x40;
	s21 =	simm.s32 @!p2 $0x8000;
	s19 =	sor.u32 @!p2 $0x1000, s19  }
0x5f: {  	[spmem:s2] =	stream.indirect.scatter.add.f32 @!p2 [tilespmem:s21], [sflag:$0x9], $0x80, s19, s20, $0xb8;
	v63 =	vld [tilespmem:$0x0]  }
0x60: {  	p2 =	por p1, p0  }
0x61: {  	p3 =	sgt.u32 @!p2 s13, $0x9B  }
0x62: {  	p1 =	por @!p0 p3, p1  }
0x63: {  	p0 =	por p1, p0  }
0x64: {  	s19 =	simm.s32 @!p0 $0x9  }
0x65: {  	_ =	swait.ge @!p0 [sflag:s19], $0x2000  }
0x66: {  	s20 =	simm.s32 @!p0 $0x40;
	[sflag:s19] =	ssyncset.done @!p0 $0x0  }
0x67: {  	s21 =	simm.s32 @!p0 $0x8000;
	[sflag:s19] =	ssyncadd.s32 @!p0 $0xFFFFE000;
	s19 =	sand.u32 @!p0 $0xF80, s0  }
0x68: {  	[tilespmem:s21], [sflag:$0x4] =	stream.indirect.gather @!p0 [hbm4b:s4+s20], $0x80, s19, s20, $0xb8;
	v63 =	vld [tilespmem:$0x0]  }
0x69: {  	s19 =	simm.s32 @!p2 $0x5  }
0x6a: {  	s17 =	sshll.u32 @!p2 s17, $0xB;
	s15 =	sshll.u32 @!p2 s15, $0x7;
	_ =	swait.ge @!p2 [sflag:s19], $0x2000  }
0x6b: {  	s15 =	sor.u32 @!p2 s15, s17;
	s17 =	simm.s32 @!p2 $0x40;
	[sflag:s19] =	ssyncset.done @!p2 $0x0  }
0x6c: {  	s15 =	sor.u32 @!p2 $0x1000, s15;
	[sflag:s19] =	ssyncadd.s32 @!p2 $0xFFFFE000;
	s19 =	simm.s32 @!p2 $0xA000  }
0x6d: {  	[spmem:s2] =	stream.indirect.scatter.add.f32 @!p2 [tilespmem:s19], [sflag:$0xA], $0x80, s15, s17, $0xb8;
	v63 =	vld [tilespmem:$0x0]  }
.LBB2_8:
0x6e: {  	s0 =	sadd.s32 $0x80, s0  }
0x6f: {  	p0 =	sne.s32 s0, $0x5200  }
.Ltmp3:
0x70: {  	_ = 	snop;
	(pc) =	sbr.rel @!p0 .LBB2_9-.Ltmp3, $2  }
0x71: {  	_ =	sdelay $0x2  }
0x72: {  	s13 =	sadd.s32 $0x1, s13  }
.LBB2_2:
0x73: {  	s17 =	sshrl.u32 s13, $0x4;
	s15 =	sand.u32 $0xF, s13  }
0x74: {  	p0 =	sne.s32 s15, $0x1;
	s19 =	sadd.s32 $0xFFFFFFFF, s17  }
0x75: {  	p1 =	sgt.u32 @!p0 s19, $0x7  }
0x76: {  	p0 =	por p0, p1  }
.Ltmp4:
0x77: {  	_ = 	snop;
	(pc) =	sbr.rel @p0 .LBB2_4-.Ltmp4, $1  }
0x78: {  	_ =	sdelay $0x3  }
0x79: {  	s19 =	sadd.s32 $0x1, s17  }
.Ltmp5:
0x7a: {  	s20 =	sshll.u32 s19, $0x8;
	s19 =	sshll.u32 s19, $0xB;
	(pc) =	sbr.rel .LBB2_5-.Ltmp5, $4  }
0x7b: {  	s19 =	sand.u32 $0x800, s19;
	s21 =	sadd.s32 s7, s20  }
0x7c: {  	[tilespmem:s19], [sflag:$0xB] =	stream.linear.gather [hbm4b:s21+s3], $0x800, $0x38;
	v63 =	vld [tilespmem:$0x0]  }
0x7d: {  	s20 =	sadd.s32 s8, s20;
	s19 =	sor.u32 $0x1000, s19  }
0x7e: {  	[tilespmem:s19], [sflag:$0xB] =	stream.linear.gather [hbm4b:s20+s3], $0x800, $0x38;
	v63 =	vld [tilespmem:$0x0]  }
.LBB2_4:
0x7f: {  	p0 =	sgt.u32 s13, $0x8F  }
0x80: {  	p1 =	sne.s32 @!p0 s15, $0xC  }
0x81: {  	p0 =	por p1, p0  }
0x82: {  	s19 =	simm.s32 @!p0 $0xB  }
0x83: {  	_ =	swait.ge @!p0 [sflag:s19], $0x800  }
0x84: {  	[sflag:s19] =	ssyncset.done @!p0 $0x0  }
0x85: {  	[sflag:s19] =	ssyncadd.s32 @!p0 $0xFFFFF800  }
0x86: {  	_ =	swait.ge @!p0 [sflag:s19], $0x800  }
0x87: {  	[sflag:s19] =	ssyncset.done @!p0 $0x0  }
0x88: {  	[sflag:s19] =	ssyncadd.s32 @!p0 $0xFFFFF800  }
.LBB2_5:
0x89: {  	s19 =	smul.u32 $0xCD, s13;
	_ =	sdelay $0x1  }
0x8a: {  	s19 =	sshrl.u32 s19, $0xA  }
0x8b: {  	s19 =	sand.u32 $0x3F, s19  }
0x8c: {  	s19 =	smul.u32 $0x5, s19;
	_ =	sdelay $0x1  }
0x8d: {  	s19 =	ssub.s32 s13, s19  }
0x8e: {  	s19 =	sand.u32 $0xFF, s19  }
0x8f: {  	p0 =	sgt.s32 s19, $0x1  }
.Ltmp6:
0x90: {  	_ = 	snop;
	(pc) =	sbr.rel @p0 .LBB2_7-.Ltmp6, $2  }
0x91: {  	_ =	sdelay $0x2  }
0x92: {  	s17 =	sand.u32 $0x1, s17  }
0x93: {  	p0 =	seq.s32 s19, $0x0  }
0x94: {  	p1 =	sgt.u32 @p0 s13, $0x9B  }
0x95: {  	p2 =	por p1, !p0  }
0x96: {  	p3 =	seq.s32 @!p2 s0, $0x200  }
0x97: {  	p1 =	por @p0 p3, p1  }
0x98: {  	p1 =	por p1, !p0  }
0x99: {  	s19 =	simm.s32 @!p1 $0xA  }
0x9a: {  	_ =	swait.ge @!p1 [sflag:s19], $0x2000  }
0x9b: {  	s20 =	simm.s32 @!p2 $0x40;
	[sflag:s19] =	ssyncset.done @!p1 $0x0  }
0x9c: {  	s21 =	simm.s32 @!p2 $0xA000;
	[sflag:s19] =	ssyncadd.s32 @!p1 $0xFFFFE000;
	s19 =	sand.u32 @!p2 $0xF80, s0  }
0x9d: {  	[tilespmem:s21], [sflag:$0x5] =	stream.indirect.gather @!p2 [hbm4b:s4+s20], $0x80, s19, s20, $0xb8;
	v63 =	vld [tilespmem:$0x0]  }
0x9e: {  	s19 =	simm.s32 @p0 $0x1  }
0x9f: {  	p1 =	slt.u32 @!p0 s13, $0x9C;
	_ =	swait.ge @p0 [sflag:s19], $0x2000  }
0xa0: {  	s20 =	sshll.u32 @p0 s17, $0xB;
	s21 =	sshll.u32 @p0 s15, $0x7;
	[sflag:s19] =	ssyncset.done @p0 $0x0  }
0xa1: {  	p2 =	por !p1, p0;
	[sflag:s19] =	ssyncadd.s32 @p0 $0xFFFFE000;
	s19 =	sor.u32 @p0 s21, s20  }
0xa2: {  	s20 =	simm.s32 @p0 $0x40;
	s21 =	simm.s32 @p0 $0x2000;
	s19 =	sor.u32 @p0 $0x1000, s19  }
0xa3: {  	[spmem:s2] =	stream.indirect.scatter.add.f32 @p0 [tilespmem:s21], [sflag:$0x6], $0x80, s19, s20, $0xb8;
	v63 =	vld [tilespmem:$0x0]  }
0xa4: {  	s19 =	simm.s32 @!p2 $0x6  }
0xa5: {  	_ =	swait.ge @!p2 [sflag:s19], $0x2000  }
0xa6: {  	s20 =	simm.s32 @!p2 $0x40;
	[sflag:s19] =	ssyncset.done @!p2 $0x0  }
0xa7: {  	s21 =	simm.s32 @!p2 $0x2000;
	[sflag:s19] =	ssyncadd.s32 @!p2 $0xFFFFE000;
	s19 =	sand.u32 @!p2 $0xF80, s0  }
0xa8: {  	[tilespmem:s21], [sflag:$0x1] =	stream.indirect.gather @!p2 [hbm4b:s4+s20], $0x80, s19, s20, $0xb8;
	v63 =	vld [tilespmem:$0x0]  }
0xa9: {  	s19 =	simm.s32 @!p2 $0x2  }
0xaa: {  	s22 =	sshll.u32 @!p2 s15, $0x7;
	s21 =	sshll.u32 @!p2 s17, $0xB;
	_ =	swait.ge @!p2 [sflag:s19], $0x2000  }
0xab: {  	p0 =	por p1, p0;
	s21 =	sor.u32 @!p2 s22, s21;
	[sflag:s19] =	ssyncset.done @!p2 $0x0  }
0xac: {  	[sflag:s19] =	ssyncadd.s32 @!p2 $0xFFFFE000;
	s19 =	sor.u32 @!p2 $0x1000, s21;
	s21 =	simm.s32 @!p2 $0x4000  }
0xad: {  	[spmem:s2] =	stream.indirect.scatter.add.f32 @!p2 [tilespmem:s21], [sflag:$0x7], $0x80, s19, s20, $0xb8;
	v63 =	vld [tilespmem:$0x0]  }
.Ltmp7:
0xae: {  	s19 =	simm.s32 @!p0 $0x2;
	(pc) =	sbr.rel .LBB2_8-.Ltmp7, $4  }
0xaf: {  	s15 =	sshll.u32 @!p0 s15, $0x7;
	s17 =	sshll.u32 @!p0 s17, $0xB;
	_ =	swait.ge @!p0 [sflag:s19], $0x2000  }
0xb0: {  	s15 =	sor.u32 @!p0 s15, s17;
	s17 =	simm.s32 @!p0 $0x40;
	[sflag:s19] =	ssyncset.done @!p0 $0x0  }
0xb1: {  	s15 =	sor.u32 @!p0 $0x1000, s15;
	[sflag:s19] =	ssyncadd.s32 @!p0 $0xFFFFE000;
	s19 =	simm.s32 @!p0 $0x4000  }
0xb2: {  	[spmem:s2] =	stream.indirect.scatter.add.f32 @!p0 [tilespmem:s19], [sflag:$0x7], $0x80, s15, s17, $0xb8;
	v63 =	vld [tilespmem:$0x0]  }
.LBB2_10:
0xb3: {  	_ =	sfence.sel $0x180000  }
0xb4: {  	[bflag:$0x0] =	sbarrier.arrive $0xFFFF  }
0xb5: {  	_ =	strace $0x9000004A  }
0xb6: {  	s0 =	stileid.u32;
	[bflag:$0x2] =	sbarrier.arrive $0xFFFF  }
0xb7: {  	p0 =	sne.s32 s0, $0x0;
	s0 =	rddreg [dreg:$0x3]  }
0xb8: {  	s0 =	sadd.s32 @!p0 $0x100000, s0  }
0xb9: {  	[sflag:s0] =	ssyncadd.tile.s32 @!p0 $0x1;
	_ =	shalt  }
.Lfunc_end2:
_tile_overlayer_lowered:
.L_overlay_start_2:
0xba: {  	(tag) =	ssettag $0x2  }
0xbb: {  	s0 =	rddreg [dreg:$0x0];
	s2 =	stileid.u32  }
0xbc: {  	s1 =	rddreg [dreg:$0x1];
	p0 =	sne.s32 s2, $0x0  }
0xbd: {  	s3 =	rddreg [dreg:$0x2];
	[bflag:$0x3] =	sbarrier.arrive $0xFFFF;
	s2 =	simm.s32 @!p0 $0x1C0C  }
0xbe: {  	[timem:s3], [sflag:s2] =	dma.local @!p0 [hbm:s0], s1  }
0xbf: {  	s0 =	simm.s32 @!p0 $0xC  }
0xc0: {  	_ =	swait.ge @!p0 [sflag:s0], s1  }
0xc1: {  	s1 =	ssub.s32 @!p0 $0x0, s1;
	[sflag:s0] =	ssyncset.done @!p0 $0x0  }
0xc2: {  	[sflag:s0] =	ssyncadd.s32 @!p0 s1  }
0xc3: {  	[bflag:$0x3] =	sbarrier.arrive $0xFFFF  }
0xc4: {  	_ =	shalt  }

// kernel: kernel.7.cloned.1.call-start
scs
__scs_entry_jumppad:
0x0: {  	(pc) =	sbr.rel $0x88, $3  }
0x1: {  	(tag) =	ssettag $0x0;
	lr =	simm.s32 $0x1  }
0x2: {  	[smem:$0x3F9D] =	sst lr;
	_ =	strace $0xD0000000  }
0x3: {  	_ = 	snop  }
0x4: {  	_ = 	snop  }
0x5: {  	_ = 	snop  }
0x6: {  	_ = 	snop  }
0x7: {  	_ = 	snop  }
__scs_overlays_trampoline_lowered:
0x8: {  	[smem:$0x3FAC] =	sst s0  }
0x9: {  	[smem:$0x3FAD] =	sst s1  }
0xa: {  	[smem:$0x3FAE] =	sst s2  }
0xb: {  	[smem:$0x3FAF] =	sst s3  }
0xc: {  	[smem:$0x3FB0] =	sst s4  }
0xd: {  	[smem:$0x3FB1] =	sst s5  }
0xe: {  	[smem:$0x3FB2] =	sst s6  }
0xf: {  	[smem:$0x3FB3] =	sst s7  }
0x10: {  	[smem:$0x3FB4] =	sst s8  }
0x11: {  	[smem:$0x3FB5] =	sst s9;
	s0 =	simm.s32 @!p0 $0x0  }
0x12: {  	s1 =	sld [smem:$0x3F9B];
	s0 =	simm.s32 @p0 $0x1  }
0x13: {  	[smem:$0x3FB6] =	sst s0;
	s0 =	simm.s32 @!p1 $0x0  }
0x14: {  	s2 =	sld [smem:$0x3F9A];
	s0 =	simm.s32 @p1 $0x1  }
0x15: {  	[smem:$0x3FB7] =	sst s0;
	s0 =	simm.s32 @!p2 $0x0  }
0x16: {  	s3 =	sld [smem:$0x3FDB];
	s0 =	simm.s32 @p2 $0x1  }
0x17: {  	s4 =	simm.s32 $0x1BF5;
	[smem:$0x3FB9] =	sst s0  }
0x18: {  	s0 =	sld [smem:$0x3F9C];
	_ =	swait.ge [sflag:s4], $0x0  }
0x19: {  	s7 =	sld [smem:$0x3F9D]  }
0x1a: {  	s8 =	sadd.s32 $0xFFFFE003, lr  }
0x1b: {  	s9 =	sadd.s32 $0xFFFFFEF7, lr;
	s5 =	simm.s32 $0xFFFFFFFF;
	p2 =	slt.u32 s8, $0xFFFFF086  }
0x1c: {  	p1 =	slt.u32 s9, $0xF7A;
	s5 =	simm.s32 @!p2 $0x0  }
0x1d: {  	s5 =	simm.s32 @p1 $0x1;
	p0 =	seq.s32 s7, s2  }
0x1e: {  	s7 =	smul.u32 @!p0 $0xF7A, s2;
	p2 =	seq.s32 @!p0 s5, $0x0  }
0x1f: {  	s9 =	smul.u32 $0xF7A, s1;
	s8 =	simm.s32 @!p0 $0x1BF5;
	p2 =	por !p2, p0  }
0x20: {  	[sflag:s8] =	ssyncset.s32 @!p0 $0xFFFFF086;
	s6 =	sadd.s32 @!p0 s3, s7;
	s7 =	simm.s32 @!p0 $0x108  }
0x21: {  	s3 =	sadd.s32 s3, s9;
	s6 =	sadd.s32 @!p0 $0x88, s6;
	s7 =	simm.s32 @p2 $0x1082  }
0x22: {  	[simem:s7], [sflag:s8] =	dma.local @!p0 [hbm:s6], $0xF7A  }
0x23: {  	s9 =	sor.u32 $0xD0000000, s2;
	s6 =	simm.s32 $0x108;
	_ =	swait.ge @!p0 [sflag:s8], $0x0  }
0x24: {  	s3 =	sadd.s32 $0x88, s3;
	s6 =	simm.s32 @!p1 $0x1082;
	[sflag:s4] =	ssyncset.s32 $0xFFFFF086  }
0x25: {  	[simem:s6], [sflag:s4] =	dma.local [hbm:s3], $0xF7A  }
0x26: {  	[smem:$0x3F9D] =	sst s1;
	(tag) =	ssettag s2;
	_ =	strace s9  }
0x27: {  	s1 =	sld [smem:$0x3FAD]  }
0x28: {  	s2 =	sld [smem:$0x3FAE]  }
0x29: {  	s4 =	sld [smem:$0x3FB0]  }
0x2a: {  	p0 =	seq.s32 s5, $0x0;
	s5 =	sld [smem:$0x3FB1]  }
0x2b: {  	s6 =	sld [smem:$0x3FB2]  }
0x2c: {  	s7 =	sld [smem:$0x3FB3]  }
0x2d: {  	s3 =	simm.s32 $0x108;
	s8 =	sld [smem:$0x3FB4]  }
0x2e: {  	s3 =	simm.s32 @!p0 $0x1082;
	s9 =	sld [smem:$0x3FB5]  }
0x2f: {  	lr =	sadd.s32 s0, s3;
	s0 =	sld [smem:$0x3FAC]  }
0x30: {  	s3 =	sld [smem:$0x3FAF]  }
0x31: {  	[smem:$0x3FB8] =	sst s10  }
0x32: {  	s10 =	sld [smem:$0x3FB6];
	_ =	sdelay $0x3  }
0x33: {  	p0 =	seq.s32 s10, $0x1;
	s10 =	sld [smem:$0x3FB8];
	_ =	sdelay $0x3  }
0x34: {  	[smem:$0x3FB8] =	sst s10  }
0x35: {  	s10 =	sld [smem:$0x3FB7];
	_ =	sdelay $0x3  }
0x36: {  	p1 =	seq.s32 s10, $0x1;
	s10 =	sld [smem:$0x3FB8];
	_ =	sdelay $0x3  }
0x37: {  	[smem:$0x3FB8] =	sst s10  }
0x38: {  	s10 =	sld [smem:$0x3FB9]  }
0x39: {  	_ = 	snop;
	(pc) =	sbr.ind lr, $3  }
0x3a: {  	_ = 	snop  }
0x3b: {  	_ = 	snop  }
0x3c: {  	p2 =	seq.s32 s10, $0x1;
	s10 =	sld [smem:$0x3FB8]  }
0x3d: {  	_ =	shalt  }
0x3e: {  	_ =	shalt  }
0x3f: {  	_ =	shalt  }
0x40: {  	_ =	shalt  }
0x41: {  	_ =	shalt  }
0x42: {  	_ =	shalt  }
0x43: {  	_ =	shalt  }
0x44: {  	_ =	shalt  }
0x45: {  	_ =	shalt  }
0x46: {  	_ =	shalt  }
0x47: {  	_ =	shalt  }
0x48: {  	_ =	shalt  }
0x49: {  	_ =	shalt  }
0x4a: {  	_ =	shalt  }
0x4b: {  	_ =	shalt  }
0x4c: {  	_ =	shalt  }
0x4d: {  	_ =	shalt  }
0x4e: {  	_ =	shalt  }
0x4f: {  	_ =	shalt  }
0x50: {  	_ =	shalt  }
0x51: {  	_ =	shalt  }
0x52: {  	_ =	shalt  }
0x53: {  	_ =	shalt  }
0x54: {  	_ =	shalt  }
0x55: {  	_ =	shalt  }
0x56: {  	_ =	shalt  }
0x57: {  	_ =	shalt  }
0x58: {  	_ =	shalt  }
0x59: {  	_ =	shalt  }
0x5a: {  	_ =	shalt  }
0x5b: {  	_ =	shalt  }
0x5c: {  	_ =	shalt  }
0x5d: {  	_ =	shalt  }
0x5e: {  	_ =	shalt  }
0x5f: {  	_ =	shalt  }
0x60: {  	_ =	shalt  }
0x61: {  	_ =	shalt  }
0x62: {  	_ =	shalt  }
0x63: {  	_ =	shalt  }
0x64: {  	_ =	shalt  }
0x65: {  	_ =	shalt  }
0x66: {  	_ =	shalt  }
0x67: {  	_ =	shalt  }
0x68: {  	_ =	shalt  }
0x69: {  	_ =	shalt  }
0x6a: {  	_ =	shalt  }
0x6b: {  	_ =	shalt  }
0x6c: {  	_ =	shalt  }
0x6d: {  	_ =	shalt  }
0x6e: {  	_ =	shalt  }
0x6f: {  	_ =	shalt  }
0x70: {  	_ =	shalt  }
0x71: {  	_ =	shalt  }
0x72: {  	_ =	shalt  }
0x73: {  	_ =	shalt  }
0x74: {  	_ =	shalt  }
0x75: {  	_ =	shalt  }
0x76: {  	_ =	shalt  }
0x77: {  	_ =	shalt  }
0x78: {  	_ =	shalt  }
0x79: {  	_ =	shalt  }
0x7a: {  	_ =	shalt  }
0x7b: {  	_ =	shalt  }
0x7c: {  	_ =	shalt  }
0x7d: {  	_ =	shalt  }
0x7e: {  	_ =	shalt  }
0x7f: {  	_ =	shalt  }
0x80: {  	_ =	shalt  }
0x81: {  	_ =	shalt  }
0x82: {  	_ =	shalt  }
0x83: {  	_ =	shalt  }
0x84: {  	_ =	shalt  }
0x85: {  	_ =	shalt  }
0x86: {  	_ =	shalt  }
0x87: {  	_ =	shalt  }
.Lfunc_end0:
.L_simem_size_0:
called_computation_lowered:
.L_overlay_start_0:
0x88: {  	s2 =	sld [smem:$0x3FD9]  }
0x89: {  	s3 =	sld [smem:$0x3FFE];
	_ =	sdelay $0x1  }
0x8a: {  	s1 =	srdreg.scid  }
0x8b: {  	s0 =	sand.u32 $0x1, s1  }
0x8c: {  	s16 =	sshll.u32 s0, $0xA;
	s2 =	sadd.s32 s3, s2  }
0x8d: {  	s2 =	sadd.s32 s2, s16  }
0x8e: {  	[smem:$0x3FC4] =	sst s2  }
0x8f: {  	_ = 	snop  }
0x90: {  	(tm) =	ssettm $0x1  }
0x91: {  	s17 =	sld [smem:$0x3FFB];
	_ =	sdelay $0x3  }
0x92: {  	_ =	strace s17  }
0x93: {  	s2 =	sld [smem:$0x3FFC];
	_ =	sdelay $0x3  }
0x94: {  	_ =	strace s2  }
0x95: {  	s2 =	sld [smem:$0x3FFD];
	_ =	sdelay $0x3  }
0x96: {  	_ =	strace s2  }
0x97: {  	_ =	strace $0x8FFFFFFF  }
0x98: {  	s18 =	sld [smem:$0x3FDB];
	_ =	sdelay $0x1  }
0x99: {  	s19 =	simm.s32 $_scs_section_size  }
0x9a: {  	s4 =	simm.s32 $_size__tile_overlayer_lowered;
	s5 =	simm.s32 $_tile_overlayer_lowered  }
0x9b: {  	s22 =	simm.s32 $0x1BFF;
	s21 =	sshll.u32 s5, $0x1;
	s2 =	sadd.s32 s19, s18  }
0x9c: {  	s6 =	simm.s32 $0x0;
	s20 =	sshll.u32 s4, $0x1;
	s4 =	sadd.s32 s21, s2  }
0x9d: {  	[timem:s6], [sflag:s22] =	dma.local [hbm:s4], s20  }
0x9e: {  	_ =	swait.ge [sflag:s22], s20  }
0x9f: {  	s3 =	ssub.s32 $0x0, s20;
	[sflag:s22] =	ssyncset.done $0x0  }
0xa0: {  	[sflag:s22] =	ssyncadd.s32 s3;
	_ =	sdelay $0x1  }
0xa1: {  	s23 =	simm.s32 $0x1B8B  }
0xa2: {  	_ =	swait.ge [sflag:s23], $0x1  }
0xa3: {  	[sflag:s23] =	ssyncset.done $0x0  }
0xa4: {  	s25 =	simm.s32 $0x1B8E;
	s24 =	sld [smem:$0x3FFE];
	[sflag:s23] =	ssyncadd.s32 $0xFFFFFFFF  }
0xa5: {  	s26 =	simm.s32 $execute0_lowered;
	[smem:$0x3FD2] =	sst s25  }
0xa6: {  	s4 =	sshll.u32 s26, $0x1;
	_ =	strace $0x80000046;
	[dreg:$0x1] =	wrdreg $0xFFFFFFFF  }
0xa7: {  	s28 =	simm.s32 $_size_execute0_lowered;
	s2 =	sadd.s32 s2, s4;
	[dreg:$0x0] =	wrdreg $0x0  }
0xa8: {  	s4 =	sshll.u32 s28, $0x1;
	[dreg:$0x2] =	wrdreg s2  }
0xa9: {  	[dreg:$0x3] =	wrdreg s4  }
0xaa: {  	[dreg:$0x4] =	wrdreg $0xC0  }
0xab: {  	_ =	task [dreg:s6], $0x5FFFF  }
0xac: {  	[dreg:$0x1] =	wrdreg $0xFFFFFFFF  }
0xad: {  	[dreg:$0x0] =	wrdreg $0x60  }
0xae: {  	[dreg:$0x2] =	wrdreg s24  }
0xaf: {  	[dreg:$0x3] =	wrdreg $0x28800  }
0xb0: {  	[dreg:$0x4] =	wrdreg $0x9  }
0xb1: {  	_ =	task.clear_ibuf [dreg:s6], $0x5FFFF;
	_ =	strace $0x90000046  }
0xb2: {  	s29 =	simm.s32 $0x9;
	_ =	strace $0x80000048  }
0xb3: {  	_ =	swait.ge [sflag:s29], $0x1  }
0xb4: {  	[sflag:s29] =	ssyncadd.s32 $0xFFFFFFFF  }
0xb5: {  	_ =	strace $0x90000048  }
0xb6: {  	_ =	sfence  }
0xb7: {  	s30 =	sld [smem:$0x0];
	_ =	sdelay $0x2  }
0xb8: {  	s31 =	sshll.u32 s1, $0xD;
	s1 =	sshrl.u32 s1, $0x2  }
0xb9: {  	s3 =	sand.u32 $0x4000, s31;
	s1 =	sadd.s32 s1, s30  }
0xba: {  	s0 =	sor.u32 s3, s0;
	s1 =	sshll.u32 s1, $0x11  }
0xbb: {  	s0 =	sor.u32 s1, s0  }
0xbc: {  	s0 =	sadd.s32 $0x8F2B, s0  }
0xbd: {  	[sflag:s0] =	ssyncadd.remote.s32 $0x1  }
0xbe: {  	_ =	sfence.sel $0xFFFF  }
0xbf: {  	[dreg:$0x0] =	wrdreg $0xFFFFFFFF;
	(pc) =	sbr.abs _section_cstart, $3  }
0xc0: {  	[dreg:$0x1] =	wrdreg $0xFFFFFFFF  }
0xc1: {  	_ =	task.clear_ibuf [dreg:s6], $0x2FFFF;
	_ =	strace $0x9FFFFFFF  }
0xc2: {  	(tm) =	ssettm $0x7FFFFFFF  }
0xc3: {  	_ =	shalt  }
tec
execute0_lowered:
.L_overlay_start_1:
0x0: {  	(tag) =	ssettag $0x1  }
0x1: {  	s7 =	rddreg [dreg:$0x0]  }
0x2: {  	s0 =	srdreg.scid;
	s2 =	rddreg [dreg:$0x1]  }
0x3: {  	s3 =	simm.s32 $0x0;
	s12 =	simm.s32 $0x2800;
	s13 =	simm.s32 $0x80  }
0x4: {  	s14 =	simm.s32 $0x1;
	s15 =	simm.s32 $0x20;
	s16 =	simm.s32 $0x10  }
0x5: {  	s17 =	simm.s32 $0x0;
	s6 =	sand.u32 $0x1, s0;
	s0 =	stileid.u32  }
0x6: {  	[smem:$0x7FF] =	sst s3;
	s1 =	sshll.u32 s6, $0x4;
	s5 =	smul.u32 $0x500, s0  }
0x7: {  	s9 =	sshll.u32 s6, $0x7;
	s10 =	smul.u32 $0xA00, s0;
	s6 =	ssub.s32 $0x2, s6  }
0x8: {  	s31 =	sshll.u32 s0, $0x6;
	s4 =	sor.u32 s0, s1;
	s1 =	rddreg [dreg:$0x2]  }
0x9: {  	_ =	strace $0x80000047;
	s30 =	sshrl.u32 s6, $0x1;
	s4 =	smul.u32 $0x500, s4  }
0xa: {  	s9 =	sor.u32 s9, s5;
	s5 =	sadd.s32 $0xBC00, s7;
	s10 =	sshrl.u32 s10, $0x2  }
0xb: {  	s11 =	ssub.s32 s6, s30;
	s6 =	sor.u32 $0x1C02, s31;
	s9 =	sshrl.u32 s9, $0x3  }
0xc: {  	s10 =	sadd.s32 s10, s2;
	s8 =	sadd.s32 s4, s7;
	s4 =	sadd.s32 $0xBE00, s7  }
0xd: {  	s9 =	sadd.s32 s9, s7;
	s10 =	sshrl.u32 s10, $0x3;
	s7 =	sadd.s32 $0x1C00, s8  }
0xe: {  	s8 =	sadd.s32 $0xC000, s9;
	s9 =	smax.u32 s11, $0x1;
	s11 =	simm.s32 $0x2  }
.LBB2_1:
0xf: {  	[spmem:s10], [sflag:s6] =	dma.local [hbm:s4], $0x50  }
0x10: {  	_ =	swait.ge [sflag:s11], $0x50  }
0x11: {  	[sflag:s11] =	ssyncset.done $0x0  }
0x12: {  	[sflag:s11] =	ssyncadd.s32 $0xFFFFFFB0  }
0x13: {  	[tilespmem:s12], [sflag:$0x2] =	stream.linear.gather [hbm4b:s5+s3], $0x80, $0x38;
	[tilespmem:$0x2B00] =	vst v63  }
0x14: {  	_ =	swait.ge [sflag:s11], $0x80  }
0x15: {  	[sflag:s11] =	ssyncset.done $0x0  }
0x16: {  	[sflag:s11] =	ssyncadd.s32 $0xFFFFFF80  }
0x17: {  	[tilespmem:s3], [sflag:$0x2] =	stream.linear.gather [hbm4b:s7+s3], $0x2800, $0x38;
	[tilespmem:$0x2B00] =	vst v63  }
0x18: {  	_ =	swait.ge [sflag:s11], $0x2800  }
0x19: {  	[sflag:s11] =	ssyncset.done $0x0  }
0x1a: {  	[sflag:s11] =	ssyncadd.s32 $0xFFFFD800  }
0x1b: {  	s18 =	simm.s32 $0x200;
	s19 =	simm.s32 $0x0;
	[bflag:$0x0] =	sbarrier.arrive $0xFFFF  }
.LBB2_2:
0x1c: {  	[spmem:s2] =	stream.indirect.scatter.add.f32 [tilespmem:s12], [sflag:$0x1], $0x1, s19, s13, $0xb8;
	[tilespmem:$0x2B00] =	vst v63  }
0x1d: {  	s19 =	smov.u32 s18;
	p0 =	sne.s32 s18, $0x9E00  }
.Ltmp0:
0x1e: {  	s18 =	sadd.s32 $0x200, s18;
	(pc) =	sbr.rel @p0 .LBB2_2-.Ltmp0, $2  }
0x1f: {  	_ =	sdelay $0x2  }
0x20: {  	s19 =	sshra.s32 s19, $0x2  }
0x21: {  	[spmem:s2] =	stream.indirect.scatter.add.f32 [tilespmem:s12], [sflag:$0x1], $0x1, s19, s13, $0xb8;
	[tilespmem:$0x2B00] =	vst v63  }
0x22: {  	_ =	swait.ge [sflag:s14], $0x2800  }
0x23: {  	s17 =	sadd.s32 $0x1, s17;
	[sflag:s14] =	ssyncset.done $0x0  }
0x24: {  	p0 =	sne.s32 s17, s9;
	[sflag:s14] =	ssyncadd.s32 $0xFFFFD800  }
.Ltmp1:
0x25: {  	[bflag:$0x0] =	sbarrier.arrive $0xFFFF;
	(pc) =	sbr.rel @p0 .LBB2_1-.Ltmp1, $4  }
0x26: {  	[hbm:s8@s15], [sflag:s6] =	dma.strided [spmem:s10@s16], $0x50, s14, $0x10   }
0x27: {  	_ =	swait.ge [sflag:s11], $0x50  }
0x28: {  	[sflag:s11] =	ssyncset.done $0x0  }
0x29: {  	[sflag:s11] =	ssyncadd.s32 $0xFFFFFFB0  }
0x2a: {  	_ =	sfence.sel $0x180000  }
0x2b: {  	[bflag:$0x0] =	sbarrier.arrive $0xFFFF  }
0x2c: {  	p0 =	sne.s32 s0, $0x0;
	_ =	strace $0x90000047  }
0x2d: {  	s0 =	sadd.s32 @!p0 $0x100000, s1;
	[bflag:$0x2] =	sbarrier.arrive $0xFFFF  }
0x2e: {  	[sflag:s0] =	ssyncadd.tile.s32 @!p0 $0x1;
	_ =	shalt  }
.Lfunc_end2:
_tile_overlayer_lowered:
.L_overlay_start_2:
0x2f: {  	(tag) =	ssettag $0x2  }
0x30: {  	s0 =	rddreg [dreg:$0x0];
	s2 =	stileid.u32  }
0x31: {  	s1 =	rddreg [dreg:$0x1];
	p0 =	sne.s32 s2, $0x0  }
0x32: {  	s3 =	rddreg [dreg:$0x2];
	[bflag:$0x3] =	sbarrier.arrive $0xFFFF;
	s2 =	simm.s32 @!p0 $0x1C02  }
0x33: {  	[timem:s3], [sflag:s2] =	dma.local @!p0 [hbm:s0], s1  }
0x34: {  	s0 =	simm.s32 @!p0 $0x2  }
0x35: {  	_ =	swait.ge @!p0 [sflag:s0], s1  }
0x36: {  	s1 =	ssub.s32 @!p0 $0x0, s1;
	[sflag:s0] =	ssyncset.done @!p0 $0x0  }
0x37: {  	[sflag:s0] =	ssyncadd.s32 @!p0 s1  }
0x38: {  	[bflag:$0x3] =	sbarrier.arrive $0xFFFF  }
0x39: {  	_ =	shalt  }

</sc_bundles>
